<compile_context>
chip_gen: v7x
topology: tpu7x:2x2x1
jax: 0.10.2.dev20260603
libtpu: 0.0.44.dev20260713+nightly
codegen_flags: <defaults>
</compile_context>

<pallas_src>
import functools

import jax
import jax.numpy as jnp
from jax import lax
from jax.experimental import pallas as pl
from jax.experimental.pallas import tpu as pltpu
from jax.experimental.pallas import tpu_sc as plsc

_RADIUS2 = 0.2 * 0.2
_NSAMPLE = 32
_P = 64
_NC = 512


def _ballq_body(xyzT_ref, nqT_ref, gxyz_ref, idx_ref):
    b = pl.program_id(0)
    n = xyzT_ref.shape[2]
    xyzT = xyzT_ref[0]
    nqT = nqT_ref[0, 0]

    xx = jnp.sum(xyzT * xyzT, axis=0)
    qq = jnp.sum(nqT * nqT, axis=0)
    cross = lax.dot_general(nqT, xyzT, (((0,), (0,)), ((), ())),
                            preferred_element_type=jnp.float32)
    dist2 = (qq[:, None] + xx[None, :]) - 2.0 * cross
    mask = (dist2 <= _RADIUS2).astype(jnp.float32)

    ii = lax.broadcasted_iota(jnp.int32, (_NC, _NC), 0)
    jj = lax.broadcasted_iota(jnp.int32, (_NC, _NC), 1)
    tri = (ii <= jj).astype(jnp.float32)

    s_keys3 = (2.0 * lax.broadcasted_iota(
        jnp.int32, (_P, _NSAMPLE, _NC), 1).astype(jnp.float32) + 1.0)

    carry = jnp.zeros((_P, 1), jnp.float32)
    acc = jnp.zeros((4, _P * _NSAMPLE), jnp.float32)

    def chunk_body(c, acc, carry):
        xc_full = xyzT[:, c * _NC:(c + 1) * _NC]
        mask_c = mask[:, c * _NC:(c + 1) * _NC]
        rank_c = lax.dot_general(mask_c, tri, (((1,), (0,)), ((), ())),
                                 preferred_element_type=jnp.float32,
                                 precision=lax.Precision.HIGHEST)
        rank_c = rank_c + carry
        key_c = 2.0 * rank_c - mask_c
        w3 = (key_c[:, None, :] == s_keys3).astype(jnp.float32)
        w2 = w3.reshape(_P * _NSAMPLE, _NC)
        xc = xc_full
        nrow = (lax.broadcasted_iota(jnp.int32, (1, _NC), 1)
                .astype(jnp.float32) + float(c * _NC))
        x4 = jnp.concatenate([xc, nrow], axis=0)
        acc = acc + lax.dot_general(x4, w2, (((1,), (1,)), ((), ())),
                                    preferred_element_type=jnp.float32,
                                    precision=lax.Precision.HIGHEST)
        carry = rank_c[:, _NC - 1:_NC]
        return acc, carry

    for c in range(n // _NC):
        if c == 0:
            acc, carry = chunk_body(0, acc, carry)
        else:
            acc, carry = lax.cond(
                jnp.min(carry) < float(_NSAMPLE),
                lambda a, k, c=c: chunk_body(c, a, k),
                lambda a, k: (a, k),
                acc, carry)

    ps = _P * _NSAMPLE
    qi = lax.broadcasted_iota(jnp.int32, (_P, ps), 0)
    li = lax.broadcasted_iota(jnp.int32, (_P, ps), 1)
    e = (qi == li // _NSAMPLE).astype(jnp.float32)
    ri = lax.broadcasted_iota(jnp.int32, (ps, _P), 0)
    ci = lax.broadcasted_iota(jnp.int32, (ps, _P), 1)
    s0 = (ri == ci * _NSAMPLE).astype(jnp.float32)
    s2048 = (lax.broadcasted_iota(jnp.int32, (1, ps), 1)
             % _NSAMPLE).astype(jnp.float32)

    ident = (lax.broadcasted_iota(jnp.int32, (_P, _P), 0)
             == lax.broadcasted_iota(jnp.int32, (_P, _P), 1)).astype(jnp.float32)
    firstq4 = jnp.dot(acc, s0, preferred_element_type=jnp.float32,
                      precision=lax.Precision.HIGHEST)
    carryT = lax.dot_general(carry, ident, (((0,), (0,)), ((), ())),
                             preferred_element_type=jnp.float32,
                             precision=lax.Precision.HIGHEST)
    packed = jnp.concatenate([firstq4, carryT, nqT], axis=0)
    exp = jnp.dot(packed, e, preferred_element_type=jnp.float32,
                  precision=lax.Precision.HIGHEST)
    firstg = exp[0:3]
    first2048 = exp[3:4]
    k2048 = exp[4:5]
    nq2048 = exp[5:8]
    valid = s2048 < k2048
    has = k2048 > 0.0

    acc3 = acc[3:4]
    idx_fix = jnp.where(valid, acc3,
                        jnp.where(has, first2048, float(n - 1)))
    idx_ref[0, 0] = idx_fix.astype(jnp.int32) + b * n

    g3 = acc[0:3]
    lastx = jnp.broadcast_to(xyzT[:, n - 1:n], (3, ps))
    g_fix = jnp.where(valid, g3, jnp.where(has, firstg, lastx))
    gxyz_ref[0, 0] = g_fix - nq2048


def _ball_query_group_xyz(xyzT, nqT):
    b, _, n = xyzT.shape
    npoint = nqT.shape[2]
    nblk = npoint // _P
    nq4 = nqT.reshape(b, 3, nblk, _P).transpose(0, 2, 1, 3)
    grid = (b, nblk)
    return pl.pallas_call(
        _ballq_body,
        grid=grid,
        compiler_params=pltpu.CompilerParams(
            dimension_semantics=("parallel", "parallel")),
        in_specs=[
            pl.BlockSpec((1, 3, n), lambda i, j: (i, 0, 0)),
            pl.BlockSpec((1, 1, 3, _P), lambda i, j: (i, j, 0, 0)),
        ],
        out_specs=[
            pl.BlockSpec((1, 1, 3, _P * _NSAMPLE), lambda i, j: (i, j, 0, 0)),
            pl.BlockSpec((1, 1, 1, _P * _NSAMPLE), lambda i, j: (i, j, 0, 0)),
        ],
        out_shape=[
            jax.ShapeDtypeStruct((b, nblk, 3, _P * _NSAMPLE), jnp.float32),
            jax.ShapeDtypeStruct((b, nblk, 1, _P * _NSAMPLE), jnp.int32),
        ],
    )(xyzT, nq4)


_GATH = 128


def _sc_gather(table, idx):
    total = idx.shape[0]
    c = table.shape[1]
    info = plsc.get_sparse_core_info()
    nw = info.num_cores * info.num_subcores
    per_w = total // nw
    iters = per_w // _GATH
    mesh = plsc.VectorSubcoreMesh(core_axis_name="c", subcore_axis_name="s")

    @functools.partial(
        pl.kernel,
        mesh=mesh,
        out_type=jax.ShapeDtypeStruct((total, c), jnp.float32),
        scratch_types=[
            pltpu.VMEM((_GATH,), jnp.int32),
            pltpu.VMEM((_GATH, c), jnp.float32),
            pltpu.SemaphoreType.DMA,
        ],
    )
    def k(table_hbm, idx_hbm, out_hbm, idx_v, rows_v, sem):
        wid = lax.axis_index("s") * info.num_cores + lax.axis_index("c")
        base = wid * per_w

        def body(i, _):
            off = base + i * _GATH
            pltpu.sync_copy(idx_hbm.at[pl.ds(off, _GATH)], idx_v)
            pltpu.async_copy(table_hbm.at[idx_v], rows_v, sem).wait()
            pltpu.sync_copy(rows_v, out_hbm.at[pl.ds(off, _GATH)])
            return 0

        lax.fori_loop(0, iters, body, 0)

    return k(table, idx)


def kernel(xyz, new_xyz, features):
    b, n, _ = xyz.shape
    npoint = new_xyz.shape[1]
    c = features.shape[1]

    xyzT = jnp.transpose(xyz, (0, 2, 1))
    nqT = jnp.transpose(new_xyz, (0, 2, 1))

    gxyz_blk, idx_blk = _ball_query_group_xyz(xyzT, nqT)
    nblk = npoint // _P
    gxyz = (gxyz_blk.reshape(b, nblk, 3, _P, _NSAMPLE)
            .transpose(0, 2, 1, 3, 4).reshape(b, 3, npoint, _NSAMPLE))

    featT = jnp.transpose(features, (0, 2, 1)).reshape(b * n, c)
    rows = _sc_gather(featT, idx_blk.reshape(-1))

    gfeat = rows.reshape(b, npoint, _NSAMPLE, c).transpose(0, 3, 1, 2)
    return jnp.concatenate([gxyz, gfeat], axis=1)

# --- scband reference (transcript-rebuilt; emitter-appended) ---
"""Pipeline reference for scband-query-and-group-5669356832940 (READ-ONLY COPY).

The authoritative reference and input builder live on the scoring server;
editing this copy changes nothing except your own understanding.
"""

import jax, jax.numpy as jnp
import numpy as np

RADIUS = 0.2
NSAMPLE = 32


def setup_inputs(seed: int = 0) -> dict:
    key = jax.random.key(seed)
    k1, k2, k3 = jax.random.split(key, 3)
    B, N, NPOINT, C = 4, 8192, 1024, 256
    xyz = jax.random.uniform(k1, (B, N, 3), dtype=jnp.float32)
    new_xyz = jax.random.uniform(k2, (B, NPOINT, 3), dtype=jnp.float32)
    features = jax.random.normal(k3, (B, C, N), dtype=jnp.float32)
    return {"xyz": xyz, "new_xyz": new_xyz, "features": features}


def _ball_query(xyz, new_xyz, radius, nsample):
    # xyz: (B, N, 3), new_xyz: (B, npoint, 3) -> idx: (B, npoint, nsample)
    B, N, _ = xyz.shape
    dist2 = (
        jnp.sum(new_xyz * new_xyz, axis=-1)[:, :, None]
        + jnp.sum(xyz * xyz, axis=-1)[:, None, :]
        - 2.0 * jnp.einsum("bpd,bnd->bpn", new_xyz, xyz)
    )  # (B, npoint, N)
    gidx = jnp.broadcast_to(jnp.arange(N, dtype=jnp.int32), dist2.shape)
    gidx = jnp.where(dist2 > radius * radius, N, gidx)
    gidx = jnp.sort(gidx, axis=-1)[:, :, :nsample]
    first = gidx[:, :, :1]
    gidx = jnp.where(gidx == N, first, gidx)
    # guard against fully-empty balls (out-of-range index)
    return jnp.clip(gidx, 0, N - 1)


def _group(features, idx):
    # features: (B, C, N), idx: (B, npoint, nsample) -> (B, C, npoint, nsample)
    return jax.vmap(lambda f, i: jnp.take(f, i, axis=1))(features, idx)


def reference(xyz, new_xyz, features):
    idx = _ball_query(xyz, new_xyz, RADIUS, NSAMPLE)
    xyz_trans = jnp.transpose(xyz, (0, 2, 1))  # (B, 3, N)
    grouped_xyz = _group(xyz_trans, idx)  # (B, 3, npoint, nsample)
    grouped_xyz = grouped_xyz - jnp.transpose(new_xyz, (0, 2, 1))[:, :, :, None]
    grouped_features = _group(features, idx)  # (B, C, npoint, nsample)
    new_features = jnp.concatenate([grouped_xyz, grouped_features], axis=1)
    return new_features

if __name__ == "__main__":
    import jax
    _d = setup_inputs()
    print(jax.jit(kernel)(*tuple(_d.values())))

</pallas_src>

<mosaic_0001>
#map = affine_map<(d0, d1) -> (0, 0)>
#map1 = affine_map<(d0, d1) -> (0)>
module attributes {stable_mosaic.version = 14 : i64} {
  func.func @k(%arg0: i32, %arg1: i32, %arg2: memref<32768x256xf32, #tpu.memory_space<hbm>>, %arg3: memref<131072xi32, #tpu.memory_space<hbm>>, %arg4: memref<131072x256xf32, #tpu.memory_space<hbm>>, %arg5: memref<128xi32, #tpu.memory_space<vmem>>, %arg6: memref<128x256xf32, #tpu.memory_space<vmem>>, %arg7: memref<!tpu.dma_semaphore, #tpu.memory_space<semaphore_mem>>) attributes {dimension_semantics = [#tpu.dimension_semantics<core_parallel>, #tpu.dimension_semantics<subcore_parallel>], iteration_bounds = array<i64: 2, 16>, scalar_prefetch = 0 : i64, scratch_operands = 3 : i64, tpu.core_type = #tpu.core_type<sc_vector_subcore>, window_params = [{transform_indices = #map}, {transform_indices = #map1}, {transform_indices = #map}]} {
    %mul3A = arith.constant 2 : i32
    %mul3A_0 = arith.muli %arg1, %mul3A : i32
    %add3A = arith.addi %mul3A_0, %arg0 : i32
    %mul3A_1 = arith.constant 4096 : i32
    %mul3A_2 = arith.muli %add3A, %mul3A_1 : i32
    %scan3A = arith.constant 0 : i32
    %scan3A_3 = arith.constant 0 : i32
    %scan3A_4 = arith.constant 32 : i32
    %scan3A_5 = arith.addi %scan3A_3, %scan3A_4 : i32
    %scan3A_6 = arith.constant 1 : i32
    %scan3A_7 = scf.for %scan3A_9 = %scan3A_3 to %scan3A_5 step %scan3A_6 iter_args(%scan3A_10 = %scan3A) -> (i32)  : i32 {
      %mul3A_11 = arith.constant 128 : i32
      %mul3A_12 = arith.muli %scan3A_9, %mul3A_11 : i32
      %add3A_13 = arith.addi %mul3A_2, %mul3A_12 : i32
      "tpu.region"() ({
        %run_scoped3A = tpu.sem_alloc : memref<!tpu.dma_semaphore, #tpu.memory_space<semaphore_mem>>
        %dma_start3A_19 = tpu.memref_slice %arg3[%add3A_13] : memref<131072xi32, #tpu.memory_space<hbm>> -> memref<128xi32, #tpu.memory_space<hbm>>
        %dma_start3A_20 = tpu.memref_slice %arg3[%add3A_13] : memref<131072xi32, #tpu.memory_space<hbm>> -> memref<128xi32, #tpu.memory_space<hbm>>
        tpu.enqueue_dma source(%dma_start3A_20 : memref<128xi32, #tpu.memory_space<hbm>>) target(%arg5 : memref<128xi32, #tpu.memory_space<vmem>>) target_semaphore(%run_scoped3A : memref<!tpu.dma_semaphore, #tpu.memory_space<semaphore_mem>>)
        %dma_wait3A_21 = tpu.memref_slice %arg3[%add3A_13] : memref<131072xi32, #tpu.memory_space<hbm>> -> memref<128xi32, #tpu.memory_space<hbm>>
        %dma_wait3A_22 = tpu.memref_slice %arg3[%add3A_13] : memref<131072xi32, #tpu.memory_space<hbm>> -> memref<128xi32, #tpu.memory_space<hbm>>
        tpu.wait_dma2 semaphore(%run_scoped3A : memref<!tpu.dma_semaphore, #tpu.memory_space<semaphore_mem>>) src(%dma_wait3A_22 : memref<128xi32, #tpu.memory_space<hbm>>) dst(%arg5 : memref<128xi32, #tpu.memory_space<vmem>>)
        tpu.yield
      }) : () -> ()
      %dma_start3A = arith.constant 0 : i32
      %dma_start3A_14 = arith.constant 0 : i32
      %dma_start3A_15 = tpu.memref_slice %arg2[%dma_start3A, %dma_start3A_14] : memref<32768x256xf32, #tpu.memory_space<hbm>> -> memref<32768x256xf32, #tpu.memory_space<hbm>>
      tpu.enqueue_indirect_dma source(%dma_start3A_15 : memref<32768x256xf32, #tpu.memory_space<hbm>>) target(%arg6 : memref<128x256xf32, #tpu.memory_space<vmem>>) offsets(%arg5 : memref<128xi32, #tpu.memory_space<vmem>>) semaphore(%arg7 : memref<!tpu.dma_semaphore, #tpu.memory_space<semaphore_mem>>)
      %dma_wait3A = arith.constant 0 : i32
      %dma_wait3A_16 = arith.constant 0 : i32
      %dma_wait3A_17 = tpu.memref_slice %arg2[%dma_wait3A, %dma_wait3A_16] : memref<32768x256xf32, #tpu.memory_space<hbm>> -> memref<32768x256xf32, #tpu.memory_space<hbm>>
      tpu.wait_indirect_dma semaphore(%arg7 : memref<!tpu.dma_semaphore, #tpu.memory_space<semaphore_mem>>) src(%dma_wait3A_17 : memref<32768x256xf32, #tpu.memory_space<hbm>>) dst(%arg6 : memref<128x256xf32, #tpu.memory_space<vmem>>)
      "tpu.region"() ({
        %run_scoped3A = tpu.sem_alloc : memref<!tpu.dma_semaphore, #tpu.memory_space<semaphore_mem>>
        %dma_start3A_19 = arith.constant 0 : i32
        %dma_start3A_20 = tpu.memref_slice %arg4[%add3A_13, %dma_start3A_19] : memref<131072x256xf32, #tpu.memory_space<hbm>> -> memref<128x256xf32, #tpu.memory_space<hbm>>
        %dma_start3A_21 = arith.constant 0 : i32
        %dma_start3A_22 = tpu.memref_slice %arg4[%add3A_13, %dma_start3A_21] : memref<131072x256xf32, #tpu.memory_space<hbm>> -> memref<128x256xf32, #tpu.memory_space<hbm>>
        tpu.enqueue_dma source(%arg6 : memref<128x256xf32, #tpu.memory_space<vmem>>) target(%dma_start3A_22 : memref<128x256xf32, #tpu.memory_space<hbm>>) target_semaphore(%run_scoped3A : memref<!tpu.dma_semaphore, #tpu.memory_space<semaphore_mem>>)
        %dma_wait3A_23 = arith.constant 0 : i32
        %dma_wait3A_24 = tpu.memref_slice %arg4[%add3A_13, %dma_wait3A_23] : memref<131072x256xf32, #tpu.memory_space<hbm>> -> memref<128x256xf32, #tpu.memory_space<hbm>>
        %dma_wait3A_25 = arith.constant 0 : i32
        %dma_wait3A_26 = tpu.memref_slice %arg4[%add3A_13, %dma_wait3A_25] : memref<131072x256xf32, #tpu.memory_space<hbm>> -> memref<128x256xf32, #tpu.memory_space<hbm>>
        tpu.wait_dma2 semaphore(%run_scoped3A : memref<!tpu.dma_semaphore, #tpu.memory_space<semaphore_mem>>) src(%arg6 : memref<128x256xf32, #tpu.memory_space<vmem>>) dst(%dma_wait3A_26 : memref<128x256xf32, #tpu.memory_space<hbm>>)
        tpu.yield
      }) : () -> ()
      %scan3A_18 = arith.constant 0 : i32
      scf.yield %scan3A_18 : i32
    }
    %scan3A_8 = arith.constant 32 : i32
    return
  }
}

module attributes {stable_mosaic.version = 14 : i64} {
  func.func @_ballq_body(%arg0: i32, %arg1: i32, %arg2: memref<1x3x8192xf32, #tpu.memory_space<vmem>>, %arg3: memref<1x1x3x64xf32, #tpu.memory_space<vmem>>, %arg4: memref<1x1x3x2048xf32, #tpu.memory_space<vmem>>, %arg5: memref<1x1x1x2048xi32, #tpu.memory_space<vmem>>) attributes {dimension_semantics = [#tpu.dimension_semantics<parallel>, #tpu.dimension_semantics<parallel>], iteration_bounds = array<i64: 4, 16>, scalar_prefetch = 0 : i64, scratch_operands = 0 : i64, tpu.core_type = #tpu.core_type<tc>, window_params = [{transform_indices = @transform_0, window_bounds = array<i64: 1, 3, 8192>}, {transform_indices = @transform_1, window_bounds = array<i64: 1, 1, 3, 64>}, {transform_indices = @transform_2, window_bounds = array<i64: 1, 1, 3, 2048>}, {transform_indices = @transform_3, window_bounds = array<i64: 1, 1, 1, 2048>}]} {
    %get3A = arith.constant 0 : index
    %get3A_0 = arith.constant 0 : index
    %get3A_1 = arith.constant 0 : index
    %get3A_2 = vector.load %arg2[%get3A, %get3A_0, %get3A_1] : memref<1x3x8192xf32, #tpu.memory_space<vmem>>, vector<1x3x8192xf32>
    %get3A_3 = vector.shape_cast %get3A_2 : vector<1x3x8192xf32> to vector<3x8192xf32>
    %get3A_4 = arith.constant 0 : index
    %get3A_5 = arith.constant 0 : index
    %get3A_6 = arith.constant 0 : index
    %get3A_7 = arith.constant 0 : index
    %get3A_8 = vector.load %arg3[%get3A_4, %get3A_5, %get3A_6, %get3A_7] : memref<1x1x3x64xf32, #tpu.memory_space<vmem>>, vector<1x1x3x64xf32>
    %get3A_9 = vector.shape_cast %get3A_8 : vector<1x1x3x64xf32> to vector<3x64xf32>
    %mul3A = arith.mulf %get3A_3, %get3A_3 : vector<3x8192xf32>
    %reduce_sum3A = arith.constant dense<0.000000e+00> : vector<8192xf32>
    %reduce_sum3A_10 = vector.multi_reduction <add>, %mul3A, %reduce_sum3A [0] : vector<3x8192xf32> to vector<8192xf32>
    %mul3A_11 = arith.mulf %get3A_9, %get3A_9 : vector<3x64xf32>
    %reduce_sum3A_12 = arith.constant dense<0.000000e+00> : vector<64xf32>
    %reduce_sum3A_13 = vector.multi_reduction <add>, %mul3A_11, %reduce_sum3A_12 [0] : vector<3x64xf32> to vector<64xf32>
    %dot_general3A = arith.constant dense<0.000000e+00> : vector<64x8192xf32>
    %dot_general3A_14 = tpu.matmul %get3A_9, %get3A_3, %dot_general3A {dimension_numbers = #tpu.dot_dimension_numbers<[0], [0], [1], [1], [0, 1, 1, 1], [], []>, transpose_lhs_hint = false} : vector<3x64xf32>, vector<3x8192xf32>, vector<64x8192xf32> -> vector<64x8192xf32>
    %broadcast_in_dim3A = vector.shape_cast %reduce_sum3A_13 : vector<64xf32> to vector<64x1xf32>
    %broadcast_in_dim3A_15 = vector.shape_cast %reduce_sum3A_10 : vector<8192xf32> to vector<1x8192xf32>
    %add3A = vector.broadcast %broadcast_in_dim3A : vector<64x1xf32> to vector<64x8192xf32>
    %add3A_16 = vector.broadcast %broadcast_in_dim3A_15 : vector<1x8192xf32> to vector<64x8192xf32>
    %add3A_17 = arith.addf %add3A, %add3A_16 : vector<64x8192xf32>
    %mul3A_18 = arith.constant 2.000000e+00 : f32
    %mul3A_19 = vector.broadcast %mul3A_18 : f32 to vector<64x8192xf32>
    %mul3A_20 = arith.mulf %mul3A_19, %dot_general3A_14 : vector<64x8192xf32>
    %sub3A = arith.subf %add3A_17, %mul3A_20 : vector<64x8192xf32>
    %le3A = arith.constant 4.000000e-02 : f32
    %le3A_21 = vector.broadcast %le3A : f32 to vector<64x8192xf32>
    %le3A_22 = arith.cmpf ole, %sub3A, %le3A_21 : vector<64x8192xf32>
    %convert_element_type3A = arith.extui %le3A_22 : vector<64x8192xi1> to vector<64x8192xi32>
    %convert_element_type3A_23 = arith.sitofp %convert_element_type3A : vector<64x8192xi32> to vector<64x8192xf32>
    %iota3A = tpu.iota {dimensions = array<i32: 0>} : vector<512x512xi32>
    %iota3A_24 = tpu.iota {dimensions = array<i32: 1>} : vector<512x512xi32>
    %le3A_25 = arith.cmpi sle, %iota3A, %iota3A_24 : vector<512x512xi32>
    %convert_element_type3A_26 = arith.extui %le3A_25 : vector<512x512xi1> to vector<512x512xi32>
    %convert_element_type3A_27 = arith.sitofp %convert_element_type3A_26 : vector<512x512xi32> to vector<512x512xf32>
    %iota3A_28 = tpu.iota {dimensions = array<i32: 1>} : vector<64x32x512xi32>
    %convert_element_type3A_29 = arith.sitofp %iota3A_28 : vector<64x32x512xi32> to vector<64x32x512xf32>
    %mul3A_30 = arith.constant 2.000000e+00 : f32
    %mul3A_31 = vector.broadcast %mul3A_30 : f32 to vector<64x32x512xf32>
    %mul3A_32 = arith.mulf %mul3A_31, %convert_element_type3A_29 : vector<64x32x512xf32>
    %add3A_33 = arith.constant 1.000000e+00 : f32
    %add3A_34 = vector.broadcast %add3A_33 : f32 to vector<64x32x512xf32>
    %add3A_35 = arith.addf %mul3A_32, %add3A_34 : vector<64x32x512xf32>
    %broadcast_in_dim3A_36 = arith.constant 0.000000e+00 : f32
    %broadcast_in_dim3A_37 = vector.broadcast %broadcast_in_dim3A_36 : f32 to vector<64x1xf32>
    %broadcast_in_dim3A_38 = arith.constant 0.000000e+00 : f32
    %broadcast_in_dim3A_39 = vector.broadcast %broadcast_in_dim3A_38 : f32 to vector<4x2048xf32>
    %slice3A = vector.extract_strided_slice %get3A_3 {offsets = [0, 0], sizes = [3, 512], strides = [1, 1]} : vector<3x8192xf32> to vector<3x512xf32>
    %slice3A_40 = vector.extract_strided_slice %convert_element_type3A_23 {offsets = [0, 0], sizes = [64, 512], strides = [1, 1]} : vector<64x8192xf32> to vector<64x512xf32>
    %dot_general3A_41 = arith.constant dense<0.000000e+00> : vector<64x512xf32>
    %dot_general3A_42 = tpu.matmul %slice3A_40, %convert_element_type3A_27, %dot_general3A_41 {dimension_numbers = #tpu.dot_dimension_numbers<[1], [0], [0], [1], [0, 0, 1, 1], [], []>, precision = #tpu.contract_precision<fp32>, transpose_lhs_hint = false} : vector<64x512xf32>, vector<512x512xf32>, vector<64x512xf32> -> vector<64x512xf32>
    %add3A_43 = vector.broadcast %broadcast_in_dim3A_37 : vector<64x1xf32> to vector<64x512xf32>
    %add3A_44 = arith.addf %dot_general3A_42, %add3A_43 : vector<64x512xf32>
    %mul3A_45 = arith.constant 2.000000e+00 : f32
    %mul3A_46 = vector.broadcast %mul3A_45 : f32 to vector<64x512xf32>
    %mul3A_47 = arith.mulf %mul3A_46, %add3A_44 : vector<64x512xf32>
    %sub3A_48 = arith.subf %mul3A_47, %slice3A_40 : vector<64x512xf32>
    %broadcast_in_dim3A_49 = vector.shape_cast %sub3A_48 : vector<64x512xf32> to vector<64x1x512xf32>
    %eq3A = vector.broadcast %broadcast_in_dim3A_49 : vector<64x1x512xf32> to vector<64x32x512xf32>
    %eq3A_50 = arith.cmpf oeq, %eq3A, %add3A_35 : vector<64x32x512xf32>
    %convert_element_type3A_51 = arith.extui %eq3A_50 : vector<64x32x512xi1> to vector<64x32x512xi32>
    %convert_element_type3A_52 = arith.sitofp %convert_element_type3A_51 : vector<64x32x512xi32> to vector<64x32x512xf32>
    %reshape3A = vector.shape_cast %convert_element_type3A_52 : vector<64x32x512xf32> to vector<2048x512xf32>
    %iota3A_53 = tpu.iota {dimensions = array<i32: 1>} : vector<1x512xi32>
    %convert_element_type3A_54 = arith.sitofp %iota3A_53 : vector<1x512xi32> to vector<1x512xf32>
    %add3A_55 = arith.constant 0.000000e+00 : f32
    %add3A_56 = vector.broadcast %add3A_55 : f32 to vector<1x512xf32>
    %add3A_57 = arith.addf %convert_element_type3A_54, %add3A_56 : vector<1x512xf32>
    %concatenate3A = tpu.concatenate %slice3A, %add3A_57 in 0 : vector<3x512xf32>, vector<1x512xf32> -> vector<4x512xf32>
    %dot_general3A_58 = arith.constant dense<0.000000e+00> : vector<4x2048xf32>
    %dot_general3A_59 = tpu.matmul %concatenate3A, %reshape3A, %dot_general3A_58 {dimension_numbers = #tpu.dot_dimension_numbers<[1], [1], [0], [0], [0, 0, 1, 0], [], []>, precision = #tpu.contract_precision<fp32>, transpose_lhs_hint = false} : vector<4x512xf32>, vector<2048x512xf32>, vector<4x2048xf32> -> vector<4x2048xf32>
    %add3A_60 = arith.addf %broadcast_in_dim3A_39, %dot_general3A_59 : vector<4x2048xf32>
    %slice3A_61 = vector.extract_strided_slice %add3A_44 {offsets = [0, 511], sizes = [64, 1], strides = [1, 1]} : vector<64x512xf32> to vector<64x1xf32>
    %reduce_min3A = vector.shape_cast %slice3A_61 : vector<64x1xf32> to vector<1x64x1xf32>
    %reduce_min3A_62 = arith.constant dense<0x7F800000> : vector<1xf32>
    %reduce_min3A_63 = vector.multi_reduction <minimumf>, %reduce_min3A, %reduce_min3A_62 [1, 2] : vector<1x64x1xf32> to vector<1xf32>
    %reduce_min3A_64 = vector.shape_cast %reduce_min3A_63 : vector<1xf32> to vector<1x1x1xf32>
    %reduce_min3A_65 = vector.extract %reduce_min3A_64[0, 0, 0] : f32 from vector<1x1x1xf32>
    %lt3A = arith.constant 3.200000e+01 : f32
    %lt3A_66 = arith.cmpf olt, %reduce_min3A_65, %lt3A : f32
    %convert_element_type3A_67 = arith.extui %lt3A_66 : i1 to i32
    %cond3A = arith.constant 0 : i32
    %cond3A_68 = arith.cmpi ne, %convert_element_type3A_67, %cond3A : i32
    %cond3A_69:2 = scf.if %cond3A_68 -> (vector<4x2048xf32>, vector<64x1xf32>) {
      %slice3A_338 = vector.extract_strided_slice %get3A_3 {offsets = [0, 512], sizes = [3, 512], strides = [1, 1]} : vector<3x8192xf32> to vector<3x512xf32>
      %slice3A_339 = vector.extract_strided_slice %convert_element_type3A_23 {offsets = [0, 512], sizes = [64, 512], strides = [1, 1]} : vector<64x8192xf32> to vector<64x512xf32>
      %dot_general3A_340 = arith.constant dense<0.000000e+00> : vector<64x512xf32>
      %dot_general3A_341 = tpu.matmul %slice3A_339, %convert_element_type3A_27, %dot_general3A_340 {dimension_numbers = #tpu.dot_dimension_numbers<[1], [0], [0], [1], [0, 0, 1, 1], [], []>, precision = #tpu.contract_precision<fp32>, transpose_lhs_hint = false} : vector<64x512xf32>, vector<512x512xf32>, vector<64x512xf32> -> vector<64x512xf32>
      %add3A_342 = vector.broadcast %slice3A_61 : vector<64x1xf32> to vector<64x512xf32>
      %add3A_343 = arith.addf %dot_general3A_341, %add3A_342 : vector<64x512xf32>
      %mul3A_344 = arith.constant 2.000000e+00 : f32
      %mul3A_345 = vector.broadcast %mul3A_344 : f32 to vector<64x512xf32>
      %mul3A_346 = arith.mulf %mul3A_345, %add3A_343 : vector<64x512xf32>
      %sub3A_347 = arith.subf %mul3A_346, %slice3A_339 : vector<64x512xf32>
      %broadcast_in_dim3A_348 = vector.shape_cast %sub3A_347 : vector<64x512xf32> to vector<64x1x512xf32>
      %eq3A_349 = vector.broadcast %broadcast_in_dim3A_348 : vector<64x1x512xf32> to vector<64x32x512xf32>
      %eq3A_350 = arith.cmpf oeq, %eq3A_349, %add3A_35 : vector<64x32x512xf32>
      %convert_element_type3A_351 = arith.extui %eq3A_350 : vector<64x32x512xi1> to vector<64x32x512xi32>
      %convert_element_type3A_352 = arith.sitofp %convert_element_type3A_351 : vector<64x32x512xi32> to vector<64x32x512xf32>
      %reshape3A_353 = vector.shape_cast %convert_element_type3A_352 : vector<64x32x512xf32> to vector<2048x512xf32>
      %iota3A_354 = tpu.iota {dimensions = array<i32: 1>} : vector<1x512xi32>
      %convert_element_type3A_355 = arith.sitofp %iota3A_354 : vector<1x512xi32> to vector<1x512xf32>
      %add3A_356 = arith.constant 5.120000e+02 : f32
      %add3A_357 = vector.broadcast %add3A_356 : f32 to vector<1x512xf32>
      %add3A_358 = arith.addf %convert_element_type3A_355, %add3A_357 : vector<1x512xf32>
      %concatenate3A_359 = tpu.concatenate %slice3A_338, %add3A_358 in 0 : vector<3x512xf32>, vector<1x512xf32> -> vector<4x512xf32>
      %dot_general3A_360 = arith.constant dense<0.000000e+00> : vector<4x2048xf32>
      %dot_general3A_361 = tpu.matmul %concatenate3A_359, %reshape3A_353, %dot_general3A_360 {dimension_numbers = #tpu.dot_dimension_numbers<[1], [1], [0], [0], [0, 0, 1, 0], [], []>, precision = #tpu.contract_precision<fp32>, transpose_lhs_hint = false} : vector<4x512xf32>, vector<2048x512xf32>, vector<4x2048xf32> -> vector<4x2048xf32>
      %add3A_362 = arith.addf %add3A_60, %dot_general3A_361 : vector<4x2048xf32>
      %slice3A_363 = vector.extract_strided_slice %add3A_343 {offsets = [0, 511], sizes = [64, 1], strides = [1, 1]} : vector<64x512xf32> to vector<64x1xf32>
      scf.yield %add3A_362, %slice3A_363 : vector<4x2048xf32>, vector<64x1xf32>
    } else {
      scf.yield %add3A_60, %slice3A_61 : vector<4x2048xf32>, vector<64x1xf32>
    }
    %reduce_min3A_70 = vector.shape_cast %cond3A_69#1 : vector<64x1xf32> to vector<1x64x1xf32>
    %reduce_min3A_71 = arith.constant dense<0x7F800000> : vector<1xf32>
    %reduce_min3A_72 = vector.multi_reduction <minimumf>, %reduce_min3A_70, %reduce_min3A_71 [1, 2] : vector<1x64x1xf32> to vector<1xf32>
    %reduce_min3A_73 = vector.shape_cast %reduce_min3A_72 : vector<1xf32> to vector<1x1x1xf32>
    %reduce_min3A_74 = vector.extract %reduce_min3A_73[0, 0, 0] : f32 from vector<1x1x1xf32>
    %lt3A_75 = arith.constant 3.200000e+01 : f32
    %lt3A_76 = arith.cmpf olt, %reduce_min3A_74, %lt3A_75 : f32
    %convert_element_type3A_77 = arith.extui %lt3A_76 : i1 to i32
    %cond3A_78 = arith.constant 0 : i32
    %cond3A_79 = arith.cmpi ne, %convert_element_type3A_77, %cond3A_78 : i32
    %cond3A_80:2 = scf.if %cond3A_79 -> (vector<4x2048xf32>, vector<64x1xf32>) {
      %slice3A_338 = vector.extract_strided_slice %get3A_3 {offsets = [0, 1024], sizes = [3, 512], strides = [1, 1]} : vector<3x8192xf32> to vector<3x512xf32>
      %slice3A_339 = vector.extract_strided_slice %convert_element_type3A_23 {offsets = [0, 1024], sizes = [64, 512], strides = [1, 1]} : vector<64x8192xf32> to vector<64x512xf32>
      %dot_general3A_340 = arith.constant dense<0.000000e+00> : vector<64x512xf32>
      %dot_general3A_341 = tpu.matmul %slice3A_339, %convert_element_type3A_27, %dot_general3A_340 {dimension_numbers = #tpu.dot_dimension_numbers<[1], [0], [0], [1], [0, 0, 1, 1], [], []>, precision = #tpu.contract_precision<fp32>, transpose_lhs_hint = false} : vector<64x512xf32>, vector<512x512xf32>, vector<64x512xf32> -> vector<64x512xf32>
      %add3A_342 = vector.broadcast %cond3A_69#1 : vector<64x1xf32> to vector<64x512xf32>
      %add3A_343 = arith.addf %dot_general3A_341, %add3A_342 : vector<64x512xf32>
      %mul3A_344 = arith.constant 2.000000e+00 : f32
      %mul3A_345 = vector.broadcast %mul3A_344 : f32 to vector<64x512xf32>
      %mul3A_346 = arith.mulf %mul3A_345, %add3A_343 : vector<64x512xf32>
      %sub3A_347 = arith.subf %mul3A_346, %slice3A_339 : vector<64x512xf32>
      %broadcast_in_dim3A_348 = vector.shape_cast %sub3A_347 : vector<64x512xf32> to vector<64x1x512xf32>
      %eq3A_349 = vector.broadcast %broadcast_in_dim3A_348 : vector<64x1x512xf32> to vector<64x32x512xf32>
      %eq3A_350 = arith.cmpf oeq, %eq3A_349, %add3A_35 : vector<64x32x512xf32>
      %convert_element_type3A_351 = arith.extui %eq3A_350 : vector<64x32x512xi1> to vector<64x32x512xi32>
      %convert_element_type3A_352 = arith.sitofp %convert_element_type3A_351 : vector<64x32x512xi32> to vector<64x32x512xf32>
      %reshape3A_353 = vector.shape_cast %convert_element_type3A_352 : vector<64x32x512xf32> to vector<2048x512xf32>
      %iota3A_354 = tpu.iota {dimensions = array<i32: 1>} : vector<1x512xi32>
      %convert_element_type3A_355 = arith.sitofp %iota3A_354 : vector<1x512xi32> to vector<1x512xf32>
      %add3A_356 = arith.constant 1.024000e+03 : f32
      %add3A_357 = vector.broadcast %add3A_356 : f32 to vector<1x512xf32>
      %add3A_358 = arith.addf %convert_element_type3A_355, %add3A_357 : vector<1x512xf32>
      %concatenate3A_359 = tpu.concatenate %slice3A_338, %add3A_358 in 0 : vector<3x512xf32>, vector<1x512xf32> -> vector<4x512xf32>
      %dot_general3A_360 = arith.constant dense<0.000000e+00> : vector<4x2048xf32>
      %dot_general3A_361 = tpu.matmul %concatenate3A_359, %reshape3A_353, %dot_general3A_360 {dimension_numbers = #tpu.dot_dimension_numbers<[1], [1], [0], [0], [0, 0, 1, 0], [], []>, precision = #tpu.contract_precision<fp32>, transpose_lhs_hint = false} : vector<4x512xf32>, vector<2048x512xf32>, vector<4x2048xf32> -> vector<4x2048xf32>
      %add3A_362 = arith.addf %cond3A_69#0, %dot_general3A_361 : vector<4x2048xf32>
      %slice3A_363 = vector.extract_strided_slice %add3A_343 {offsets = [0, 511], sizes = [64, 1], strides = [1, 1]} : vector<64x512xf32> to vector<64x1xf32>
      scf.yield %add3A_362, %slice3A_363 : vector<4x2048xf32>, vector<64x1xf32>
    } else {
      scf.yield %cond3A_69#0, %cond3A_69#1 : vector<4x2048xf32>, vector<64x1xf32>
    }
    %reduce_min3A_81 = vector.shape_cast %cond3A_80#1 : vector<64x1xf32> to vector<1x64x1xf32>
    %reduce_min3A_82 = arith.constant dense<0x7F800000> : vector<1xf32>
    %reduce_min3A_83 = vector.multi_reduction <minimumf>, %reduce_min3A_81, %reduce_min3A_82 [1, 2] : vector<1x64x1xf32> to vector<1xf32>
    %reduce_min3A_84 = vector.shape_cast %reduce_min3A_83 : vector<1xf32> to vector<1x1x1xf32>
    %reduce_min3A_85 = vector.extract %reduce_min3A_84[0, 0, 0] : f32 from vector<1x1x1xf32>
    %lt3A_86 = arith.constant 3.200000e+01 : f32
    %lt3A_87 = arith.cmpf olt, %reduce_min3A_85, %lt3A_86 : f32
    %convert_element_type3A_88 = arith.extui %lt3A_87 : i1 to i32
    %cond3A_89 = arith.constant 0 : i32
    %cond3A_90 = arith.cmpi ne, %convert_element_type3A_88, %cond3A_89 : i32
    %cond3A_91:2 = scf.if %cond3A_90 -> (vector<4x2048xf32>, vector<64x1xf32>) {
      %slice3A_338 = vector.extract_strided_slice %get3A_3 {offsets = [0, 1536], sizes = [3, 512], strides = [1, 1]} : vector<3x8192xf32> to vector<3x512xf32>
      %slice3A_339 = vector.extract_strided_slice %convert_element_type3A_23 {offsets = [0, 1536], sizes = [64, 512], strides = [1, 1]} : vector<64x8192xf32> to vector<64x512xf32>
      %dot_general3A_340 = arith.constant dense<0.000000e+00> : vector<64x512xf32>
      %dot_general3A_341 = tpu.matmul %slice3A_339, %convert_element_type3A_27, %dot_general3A_340 {dimension_numbers = #tpu.dot_dimension_numbers<[1], [0], [0], [1], [0, 0, 1, 1], [], []>, precision = #tpu.contract_precision<fp32>, transpose_lhs_hint = false} : vector<64x512xf32>, vector<512x512xf32>, vector<64x512xf32> -> vector<64x512xf32>
      %add3A_342 = vector.broadcast %cond3A_80#1 : vector<64x1xf32> to vector<64x512xf32>
      %add3A_343 = arith.addf %dot_general3A_341, %add3A_342 : vector<64x512xf32>
      %mul3A_344 = arith.constant 2.000000e+00 : f32
      %mul3A_345 = vector.broadcast %mul3A_344 : f32 to vector<64x512xf32>
      %mul3A_346 = arith.mulf %mul3A_345, %add3A_343 : vector<64x512xf32>
      %sub3A_347 = arith.subf %mul3A_346, %slice3A_339 : vector<64x512xf32>
      %broadcast_in_dim3A_348 = vector.shape_cast %sub3A_347 : vector<64x512xf32> to vector<64x1x512xf32>
      %eq3A_349 = vector.broadcast %broadcast_in_dim3A_348 : vector<64x1x512xf32> to vector<64x32x512xf32>
      %eq3A_350 = arith.cmpf oeq, %eq3A_349, %add3A_35 : vector<64x32x512xf32>
      %convert_element_type3A_351 = arith.extui %eq3A_350 : vector<64x32x512xi1> to vector<64x32x512xi32>
      %convert_element_type3A_352 = arith.sitofp %convert_element_type3A_351 : vector<64x32x512xi32> to vector<64x32x512xf32>
      %reshape3A_353 = vector.shape_cast %convert_element_type3A_352 : vector<64x32x512xf32> to vector<2048x512xf32>
      %iota3A_354 = tpu.iota {dimensions = array<i32: 1>} : vector<1x512xi32>
      %convert_element_type3A_355 = arith.sitofp %iota3A_354 : vector<1x512xi32> to vector<1x512xf32>
      %add3A_356 = arith.constant 1.536000e+03 : f32
      %add3A_357 = vector.broadcast %add3A_356 : f32 to vector<1x512xf32>
      %add3A_358 = arith.addf %convert_element_type3A_355, %add3A_357 : vector<1x512xf32>
      %concatenate3A_359 = tpu.concatenate %slice3A_338, %add3A_358 in 0 : vector<3x512xf32>, vector<1x512xf32> -> vector<4x512xf32>
      %dot_general3A_360 = arith.constant dense<0.000000e+00> : vector<4x2048xf32>
      %dot_general3A_361 = tpu.matmul %concatenate3A_359, %reshape3A_353, %dot_general3A_360 {dimension_numbers = #tpu.dot_dimension_numbers<[1], [1], [0], [0], [0, 0, 1, 0], [], []>, precision = #tpu.contract_precision<fp32>, transpose_lhs_hint = false} : vector<4x512xf32>, vector<2048x512xf32>, vector<4x2048xf32> -> vector<4x2048xf32>
      %add3A_362 = arith.addf %cond3A_80#0, %dot_general3A_361 : vector<4x2048xf32>
      %slice3A_363 = vector.extract_strided_slice %add3A_343 {offsets = [0, 511], sizes = [64, 1], strides = [1, 1]} : vector<64x512xf32> to vector<64x1xf32>
      scf.yield %add3A_362, %slice3A_363 : vector<4x2048xf32>, vector<64x1xf32>
    } else {
      scf.yield %cond3A_80#0, %cond3A_80#1 : vector<4x2048xf32>, vector<64x1xf32>
    }
    %reduce_min3A_92 = vector.shape_cast %cond3A_91#1 : vector<64x1xf32> to vector<1x64x1xf32>
    %reduce_min3A_93 = arith.constant dense<0x7F800000> : vector<1xf32>
    %reduce_min3A_94 = vector.multi_reduction <minimumf>, %reduce_min3A_92, %reduce_min3A_93 [1, 2] : vector<1x64x1xf32> to vector<1xf32>
    %reduce_min3A_95 = vector.shape_cast %reduce_min3A_94 : vector<1xf32> to vector<1x1x1xf32>
    %reduce_min3A_96 = vector.extract %reduce_min3A_95[0, 0, 0] : f32 from vector<1x1x1xf32>
    %lt3A_97 = arith.constant 3.200000e+01 : f32
    %lt3A_98 = arith.cmpf olt, %reduce_min3A_96, %lt3A_97 : f32
    %convert_element_type3A_99 = arith.extui %lt3A_98 : i1 to i32
    %cond3A_100 = arith.constant 0 : i32
    %cond3A_101 = arith.cmpi ne, %convert_element_type3A_99, %cond3A_100 : i32
    %cond3A_102:2 = scf.if %cond3A_101 -> (vector<4x2048xf32>, vector<64x1xf32>) {
      %slice3A_338 = vector.extract_strided_slice %get3A_3 {offsets = [0, 2048], sizes = [3, 512], strides = [1, 1]} : vector<3x8192xf32> to vector<3x512xf32>
      %slice3A_339 = vector.extract_strided_slice %convert_element_type3A_23 {offsets = [0, 2048], sizes = [64, 512], strides = [1, 1]} : vector<64x8192xf32> to vector<64x512xf32>
      %dot_general3A_340 = arith.constant dense<0.000000e+00> : vector<64x512xf32>
      %dot_general3A_341 = tpu.matmul %slice3A_339, %convert_element_type3A_27, %dot_general3A_340 {dimension_numbers = #tpu.dot_dimension_numbers<[1], [0], [0], [1], [0, 0, 1, 1], [], []>, precision = #tpu.contract_precision<fp32>, transpose_lhs_hint = false} : vector<64x512xf32>, vector<512x512xf32>, vector<64x512xf32> -> vector<64x512xf32>
      %add3A_342 = vector.broadcast %cond3A_91#1 : vector<64x1xf32> to vector<64x512xf32>
      %add3A_343 = arith.addf %dot_general3A_341, %add3A_342 : vector<64x512xf32>
      %mul3A_344 = arith.constant 2.000000e+00 : f32
      %mul3A_345 = vector.broadcast %mul3A_344 : f32 to vector<64x512xf32>
      %mul3A_346 = arith.mulf %mul3A_345, %add3A_343 : vector<64x512xf32>
      %sub3A_347 = arith.subf %mul3A_346, %slice3A_339 : vector<64x512xf32>
      %broadcast_in_dim3A_348 = vector.shape_cast %sub3A_347 : vector<64x512xf32> to vector<64x1x512xf32>
      %eq3A_349 = vector.broadcast %broadcast_in_dim3A_348 : vector<64x1x512xf32> to vector<64x32x512xf32>
      %eq3A_350 = arith.cmpf oeq, %eq3A_349, %add3A_35 : vector<64x32x512xf32>
      %convert_element_type3A_351 = arith.extui %eq3A_350 : vector<64x32x512xi1> to vector<64x32x512xi32>
      %convert_element_type3A_352 = arith.sitofp %convert_element_type3A_351 : vector<64x32x512xi32> to vector<64x32x512xf32>
      %reshape3A_353 = vector.shape_cast %convert_element_type3A_352 : vector<64x32x512xf32> to vector<2048x512xf32>
      %iota3A_354 = tpu.iota {dimensions = array<i32: 1>} : vector<1x512xi32>
      %convert_element_type3A_355 = arith.sitofp %iota3A_354 : vector<1x512xi32> to vector<1x512xf32>
      %add3A_356 = arith.constant 2.048000e+03 : f32
      %add3A_357 = vector.broadcast %add3A_356 : f32 to vector<1x512xf32>
      %add3A_358 = arith.addf %convert_element_type3A_355, %add3A_357 : vector<1x512xf32>
      %concatenate3A_359 = tpu.concatenate %slice3A_338, %add3A_358 in 0 : vector<3x512xf32>, vector<1x512xf32> -> vector<4x512xf32>
      %dot_general3A_360 = arith.constant dense<0.000000e+00> : vector<4x2048xf32>
      %dot_general3A_361 = tpu.matmul %concatenate3A_359, %reshape3A_353, %dot_general3A_360 {dimension_numbers = #tpu.dot_dimension_numbers<[1], [1], [0], [0], [0, 0, 1, 0], [], []>, precision = #tpu.contract_precision<fp32>, transpose_lhs_hint = false} : vector<4x512xf32>, vector<2048x512xf32>, vector<4x2048xf32> -> vector<4x2048xf32>
      %add3A_362 = arith.addf %cond3A_91#0, %dot_general3A_361 : vector<4x2048xf32>
      %slice3A_363 = vector.extract_strided_slice %add3A_343 {offsets = [0, 511], sizes = [64, 1], strides = [1, 1]} : vector<64x512xf32> to vector<64x1xf32>
      scf.yield %add3A_362, %slice3A_363 : vector<4x2048xf32>, vector<64x1xf32>
    } else {
      scf.yield %cond3A_91#0, %cond3A_91#1 : vector<4x2048xf32>, vector<64x1xf32>
    }
    %reduce_min3A_103 = vector.shape_cast %cond3A_102#1 : vector<64x1xf32> to vector<1x64x1xf32>
    %reduce_min3A_104 = arith.constant dense<0x7F800000> : vector<1xf32>
    %reduce_min3A_105 = vector.multi_reduction <minimumf>, %reduce_min3A_103, %reduce_min3A_104 [1, 2] : vector<1x64x1xf32> to vector<1xf32>
    %reduce_min3A_106 = vector.shape_cast %reduce_min3A_105 : vector<1xf32> to vector<1x1x1xf32>
    %reduce_min3A_107 = vector.extract %reduce_min3A_106[0, 0, 0] : f32 from vector<1x1x1xf32>
    %lt3A_108 = arith.constant 3.200000e+01 : f32
    %lt3A_109 = arith.cmpf olt, %reduce_min3A_107, %lt3A_108 : f32
    %convert_element_type3A_110 = arith.extui %lt3A_109 : i1 to i32
    %cond3A_111 = arith.constant 0 : i32
    %cond3A_112 = arith.cmpi ne, %convert_element_type3A_110, %cond3A_111 : i32
    %cond3A_113:2 = scf.if %cond3A_112 -> (vector<4x2048xf32>, vector<64x1xf32>) {
      %slice3A_338 = vector.extract_strided_slice %get3A_3 {offsets = [0, 2560], sizes = [3, 512], strides = [1, 1]} : vector<3x8192xf32> to vector<3x512xf32>
      %slice3A_339 = vector.extract_strided_slice %convert_element_type3A_23 {offsets = [0, 2560], sizes = [64, 512], strides = [1, 1]} : vector<64x8192xf32> to vector<64x512xf32>
      %dot_general3A_340 = arith.constant dense<0.000000e+00> : vector<64x512xf32>
      %dot_general3A_341 = tpu.matmul %slice3A_339, %convert_element_type3A_27, %dot_general3A_340 {dimension_numbers = #tpu.dot_dimension_numbers<[1], [0], [0], [1], [0, 0, 1, 1], [], []>, precision = #tpu.contract_precision<fp32>, transpose_lhs_hint = false} : vector<64x512xf32>, vector<512x512xf32>, vector<64x512xf32> -> vector<64x512xf32>
      %add3A_342 = vector.broadcast %cond3A_102#1 : vector<64x1xf32> to vector<64x512xf32>
      %add3A_343 = arith.addf %dot_general3A_341, %add3A_342 : vector<64x512xf32>
      %mul3A_344 = arith.constant 2.000000e+00 : f32
      %mul3A_345 = vector.broadcast %mul3A_344 : f32 to vector<64x512xf32>
      %mul3A_346 = arith.mulf %mul3A_345, %add3A_343 : vector<64x512xf32>
      %sub3A_347 = arith.subf %mul3A_346, %slice3A_339 : vector<64x512xf32>
      %broadcast_in_dim3A_348 = vector.shape_cast %sub3A_347 : vector<64x512xf32> to vector<64x1x512xf32>
      %eq3A_349 = vector.broadcast %broadcast_in_dim3A_348 : vector<64x1x512xf32> to vector<64x32x512xf32>
      %eq3A_350 = arith.cmpf oeq, %eq3A_349, %add3A_35 : vector<64x32x512xf32>
      %convert_element_type3A_351 = arith.extui %eq3A_350 : vector<64x32x512xi1> to vector<64x32x512xi32>
      %convert_element_type3A_352 = arith.sitofp %convert_element_type3A_351 : vector<64x32x512xi32> to vector<64x32x512xf32>
      %reshape3A_353 = vector.shape_cast %convert_element_type3A_352 : vector<64x32x512xf32> to vector<2048x512xf32>
      %iota3A_354 = tpu.iota {dimensions = array<i32: 1>} : vector<1x512xi32>
      %convert_element_type3A_355 = arith.sitofp %iota3A_354 : vector<1x512xi32> to vector<1x512xf32>
      %add3A_356 = arith.constant 2.560000e+03 : f32
      %add3A_357 = vector.broadcast %add3A_356 : f32 to vector<1x512xf32>
      %add3A_358 = arith.addf %convert_element_type3A_355, %add3A_357 : vector<1x512xf32>
      %concatenate3A_359 = tpu.concatenate %slice3A_338, %add3A_358 in 0 : vector<3x512xf32>, vector<1x512xf32> -> vector<4x512xf32>
      %dot_general3A_360 = arith.constant dense<0.000000e+00> : vector<4x2048xf32>
      %dot_general3A_361 = tpu.matmul %concatenate3A_359, %reshape3A_353, %dot_general3A_360 {dimension_numbers = #tpu.dot_dimension_numbers<[1], [1], [0], [0], [0, 0, 1, 0], [], []>, precision = #tpu.contract_precision<fp32>, transpose_lhs_hint = false} : vector<4x512xf32>, vector<2048x512xf32>, vector<4x2048xf32> -> vector<4x2048xf32>
      %add3A_362 = arith.addf %cond3A_102#0, %dot_general3A_361 : vector<4x2048xf32>
      %slice3A_363 = vector.extract_strided_slice %add3A_343 {offsets = [0, 511], sizes = [64, 1], strides = [1, 1]} : vector<64x512xf32> to vector<64x1xf32>
      scf.yield %add3A_362, %slice3A_363 : vector<4x2048xf32>, vector<64x1xf32>
    } else {
      scf.yield %cond3A_102#0, %cond3A_102#1 : vector<4x2048xf32>, vector<64x1xf32>
    }
    %reduce_min3A_114 = vector.shape_cast %cond3A_113#1 : vector<64x1xf32> to vector<1x64x1xf32>
    %reduce_min3A_115 = arith.constant dense<0x7F800000> : vector<1xf32>
    %reduce_min3A_116 = vector.multi_reduction <minimumf>, %reduce_min3A_114, %reduce_min3A_115 [1, 2] : vector<1x64x1xf32> to vector<1xf32>
    %reduce_min3A_117 = vector.shape_cast %reduce_min3A_116 : vector<1xf32> to vector<1x1x1xf32>
    %reduce_min3A_118 = vector.extract %reduce_min3A_117[0, 0, 0] : f32 from vector<1x1x1xf32>
    %lt3A_119 = arith.constant 3.200000e+01 : f32
    %lt3A_120 = arith.cmpf olt, %reduce_min3A_118, %lt3A_119 : f32
    %convert_element_type3A_121 = arith.extui %lt3A_120 : i1 to i32
    %cond3A_122 = arith.constant 0 : i32
    %cond3A_123 = arith.cmpi ne, %convert_element_type3A_121, %cond3A_122 : i32
    %cond3A_124:2 = scf.if %cond3A_123 -> (vector<4x2048xf32>, vector<64x1xf32>) {
      %slice3A_338 = vector.extract_strided_slice %get3A_3 {offsets = [0, 3072], sizes = [3, 512], strides = [1, 1]} : vector<3x8192xf32> to vector<3x512xf32>
      %slice3A_339 = vector.extract_strided_slice %convert_element_type3A_23 {offsets = [0, 3072], sizes = [64, 512], strides = [1, 1]} : vector<64x8192xf32> to vector<64x512xf32>
      %dot_general3A_340 = arith.constant dense<0.000000e+00> : vector<64x512xf32>
      %dot_general3A_341 = tpu.matmul %slice3A_339, %convert_element_type3A_27, %dot_general3A_340 {dimension_numbers = #tpu.dot_dimension_numbers<[1], [0], [0], [1], [0, 0, 1, 1], [], []>, precision = #tpu.contract_precision<fp32>, transpose_lhs_hint = false} : vector<64x512xf32>, vector<512x512xf32>, vector<64x512xf32> -> vector<64x512xf32>
      %add3A_342 = vector.broadcast %cond3A_113#1 : vector<64x1xf32> to vector<64x512xf32>
      %add3A_343 = arith.addf %dot_general3A_341, %add3A_342 : vector<64x512xf32>
      %mul3A_344 = arith.constant 2.000000e+00 : f32
      %mul3A_345 = vector.broadcast %mul3A_344 : f32 to vector<64x512xf32>
      %mul3A_346 = arith.mulf %mul3A_345, %add3A_343 : vector<64x512xf32>
      %sub3A_347 = arith.subf %mul3A_346, %slice3A_339 : vector<64x512xf32>
      %broadcast_in_dim3A_348 = vector.shape_cast %sub3A_347 : vector<64x512xf32> to vector<64x1x512xf32>
      %eq3A_349 = vector.broadcast %broadcast_in_dim3A_348 : vector<64x1x512xf32> to vector<64x32x512xf32>
      %eq3A_350 = arith.cmpf oeq, %eq3A_349, %add3A_35 : vector<64x32x512xf32>
      %convert_element_type3A_351 = arith.extui %eq3A_350 : vector<64x32x512xi1> to vector<64x32x512xi32>
      %convert_element_type3A_352 = arith.sitofp %convert_element_type3A_351 : vector<64x32x512xi32> to vector<64x32x512xf32>
      %reshape3A_353 = vector.shape_cast %convert_element_type3A_352 : vector<64x32x512xf32> to vector<2048x512xf32>
      %iota3A_354 = tpu.iota {dimensions = array<i32: 1>} : vector<1x512xi32>
      %convert_element_type3A_355 = arith.sitofp %iota3A_354 : vector<1x512xi32> to vector<1x512xf32>
      %add3A_356 = arith.constant 3.072000e+03 : f32
      %add3A_357 = vector.broadcast %add3A_356 : f32 to vector<1x512xf32>
      %add3A_358 = arith.addf %convert_element_type3A_355, %add3A_357 : vector<1x512xf32>
      %concatenate3A_359 = tpu.concatenate %slice3A_338, %add3A_358 in 0 : vector<3x512xf32>, vector<1x512xf32> -> vector<4x512xf32>
      %dot_general3A_360 = arith.constant dense<0.000000e+00> : vector<4x2048xf32>
      %dot_general3A_361 = tpu.matmul %concatenate3A_359, %reshape3A_353, %dot_general3A_360 {dimension_numbers = #tpu.dot_dimension_numbers<[1], [1], [0], [0], [0, 0, 1, 0], [], []>, precision = #tpu.contract_precision<fp32>, transpose_lhs_hint = false} : vector<4x512xf32>, vector<2048x512xf32>, vector<4x2048xf32> -> vector<4x2048xf32>
      %add3A_362 = arith.addf %cond3A_113#0, %dot_general3A_361 : vector<4x2048xf32>
      %slice3A_363 = vector.extract_strided_slice %add3A_343 {offsets = [0, 511], sizes = [64, 1], strides = [1, 1]} : vector<64x512xf32> to vector<64x1xf32>
      scf.yield %add3A_362, %slice3A_363 : vector<4x2048xf32>, vector<64x1xf32>
    } else {
      scf.yield %cond3A_113#0, %cond3A_113#1 : vector<4x2048xf32>, vector<64x1xf32>
    }
    %reduce_min3A_125 = vector.shape_cast %cond3A_124#1 : vector<64x1xf32> to vector<1x64x1xf32>
    %reduce_min3A_126 = arith.constant dense<0x7F800000> : vector<1xf32>
    %reduce_min3A_127 = vector.multi_reduction <minimumf>, %reduce_min3A_125, %reduce_min3A_126 [1, 2] : vector<1x64x1xf32> to vector<1xf32>
    %reduce_min3A_128 = vector.shape_cast %reduce_min3A_127 : vector<1xf32> to vector<1x1x1xf32>
    %reduce_min3A_129 = vector.extract %reduce_min3A_128[0, 0, 0] : f32 from vector<1x1x1xf32>
    %lt3A_130 = arith.constant 3.200000e+01 : f32
    %lt3A_131 = arith.cmpf olt, %reduce_min3A_129, %lt3A_130 : f32
    %convert_element_type3A_132 = arith.extui %lt3A_131 : i1 to i32
    %cond3A_133 = arith.constant 0 : i32
    %cond3A_134 = arith.cmpi ne, %convert_element_type3A_132, %cond3A_133 : i32
    %cond3A_135:2 = scf.if %cond3A_134 -> (vector<4x2048xf32>, vector<64x1xf32>) {
      %slice3A_338 = vector.extract_strided_slice %get3A_3 {offsets = [0, 3584], sizes = [3, 512], strides = [1, 1]} : vector<3x8192xf32> to vector<3x512xf32>
      %slice3A_339 = vector.extract_strided_slice %convert_element_type3A_23 {offsets = [0, 3584], sizes = [64, 512], strides = [1, 1]} : vector<64x8192xf32> to vector<64x512xf32>
      %dot_general3A_340 = arith.constant dense<0.000000e+00> : vector<64x512xf32>
      %dot_general3A_341 = tpu.matmul %slice3A_339, %convert_element_type3A_27, %dot_general3A_340 {dimension_numbers = #tpu.dot_dimension_numbers<[1], [0], [0], [1], [0, 0, 1, 1], [], []>, precision = #tpu.contract_precision<fp32>, transpose_lhs_hint = false} : vector<64x512xf32>, vector<512x512xf32>, vector<64x512xf32> -> vector<64x512xf32>
      %add3A_342 = vector.broadcast %cond3A_124#1 : vector<64x1xf32> to vector<64x512xf32>
      %add3A_343 = arith.addf %dot_general3A_341, %add3A_342 : vector<64x512xf32>
      %mul3A_344 = arith.constant 2.000000e+00 : f32
      %mul3A_345 = vector.broadcast %mul3A_344 : f32 to vector<64x512xf32>
      %mul3A_346 = arith.mulf %mul3A_345, %add3A_343 : vector<64x512xf32>
      %sub3A_347 = arith.subf %mul3A_346, %slice3A_339 : vector<64x512xf32>
      %broadcast_in_dim3A_348 = vector.shape_cast %sub3A_347 : vector<64x512xf32> to vector<64x1x512xf32>
      %eq3A_349 = vector.broadcast %broadcast_in_dim3A_348 : vector<64x1x512xf32> to vector<64x32x512xf32>
      %eq3A_350 = arith.cmpf oeq, %eq3A_349, %add3A_35 : vector<64x32x512xf32>
      %convert_element_type3A_351 = arith.extui %eq3A_350 : vector<64x32x512xi1> to vector<64x32x512xi32>
      %convert_element_type3A_352 = arith.sitofp %convert_element_type3A_351 : vector<64x32x512xi32> to vector<64x32x512xf32>
      %reshape3A_353 = vector.shape_cast %convert_element_type3A_352 : vector<64x32x512xf32> to vector<2048x512xf32>
      %iota3A_354 = tpu.iota {dimensions = array<i32: 1>} : vector<1x512xi32>
      %convert_element_type3A_355 = arith.sitofp %iota3A_354 : vector<1x512xi32> to vector<1x512xf32>
      %add3A_356 = arith.constant 3.584000e+03 : f32
      %add3A_357 = vector.broadcast %add3A_356 : f32 to vector<1x512xf32>
      %add3A_358 = arith.addf %convert_element_type3A_355, %add3A_357 : vector<1x512xf32>
      %concatenate3A_359 = tpu.concatenate %slice3A_338, %add3A_358 in 0 : vector<3x512xf32>, vector<1x512xf32> -> vector<4x512xf32>
      %dot_general3A_360 = arith.constant dense<0.000000e+00> : vector<4x2048xf32>
      %dot_general3A_361 = tpu.matmul %concatenate3A_359, %reshape3A_353, %dot_general3A_360 {dimension_numbers = #tpu.dot_dimension_numbers<[1], [1], [0], [0], [0, 0, 1, 0], [], []>, precision = #tpu.contract_precision<fp32>, transpose_lhs_hint = false} : vector<4x512xf32>, vector<2048x512xf32>, vector<4x2048xf32> -> vector<4x2048xf32>
      %add3A_362 = arith.addf %cond3A_124#0, %dot_general3A_361 : vector<4x2048xf32>
      %slice3A_363 = vector.extract_strided_slice %add3A_343 {offsets = [0, 511], sizes = [64, 1], strides = [1, 1]} : vector<64x512xf32> to vector<64x1xf32>
      scf.yield %add3A_362, %slice3A_363 : vector<4x2048xf32>, vector<64x1xf32>
    } else {
      scf.yield %cond3A_124#0, %cond3A_124#1 : vector<4x2048xf32>, vector<64x1xf32>
    }
    %reduce_min3A_136 = vector.shape_cast %cond3A_135#1 : vector<64x1xf32> to vector<1x64x1xf32>
    %reduce_min3A_137 = arith.constant dense<0x7F800000> : vector<1xf32>
    %reduce_min3A_138 = vector.multi_reduction <minimumf>, %reduce_min3A_136, %reduce_min3A_137 [1, 2] : vector<1x64x1xf32> to vector<1xf32>
    %reduce_min3A_139 = vector.shape_cast %reduce_min3A_138 : vector<1xf32> to vector<1x1x1xf32>
    %reduce_min3A_140 = vector.extract %reduce_min3A_139[0, 0, 0] : f32 from vector<1x1x1xf32>
    %lt3A_141 = arith.constant 3.200000e+01 : f32
    %lt3A_142 = arith.cmpf olt, %reduce_min3A_140, %lt3A_141 : f32
    %convert_element_type3A_143 = arith.extui %lt3A_142 : i1 to i32
    %cond3A_144 = arith.constant 0 : i32
    %cond3A_145 = arith.cmpi ne, %convert_element_type3A_143, %cond3A_144 : i32
    %cond3A_146:2 = scf.if %cond3A_145 -> (vector<4x2048xf32>, vector<64x1xf32>) {
      %slice3A_338 = vector.extract_strided_slice %get3A_3 {offsets = [0, 4096], sizes = [3, 512], strides = [1, 1]} : vector<3x8192xf32> to vector<3x512xf32>
      %slice3A_339 = vector.extract_strided_slice %convert_element_type3A_23 {offsets = [0, 4096], sizes = [64, 512], strides = [1, 1]} : vector<64x8192xf32> to vector<64x512xf32>
      %dot_general3A_340 = arith.constant dense<0.000000e+00> : vector<64x512xf32>
      %dot_general3A_341 = tpu.matmul %slice3A_339, %convert_element_type3A_27, %dot_general3A_340 {dimension_numbers = #tpu.dot_dimension_numbers<[1], [0], [0], [1], [0, 0, 1, 1], [], []>, precision = #tpu.contract_precision<fp32>, transpose_lhs_hint = false} : vector<64x512xf32>, vector<512x512xf32>, vector<64x512xf32> -> vector<64x512xf32>
      %add3A_342 = vector.broadcast %cond3A_135#1 : vector<64x1xf32> to vector<64x512xf32>
      %add3A_343 = arith.addf %dot_general3A_341, %add3A_342 : vector<64x512xf32>
      %mul3A_344 = arith.constant 2.000000e+00 : f32
      %mul3A_345 = vector.broadcast %mul3A_344 : f32 to vector<64x512xf32>
      %mul3A_346 = arith.mulf %mul3A_345, %add3A_343 : vector<64x512xf32>
      %sub3A_347 = arith.subf %mul3A_346, %slice3A_339 : vector<64x512xf32>
      %broadcast_in_dim3A_348 = vector.shape_cast %sub3A_347 : vector<64x512xf32> to vector<64x1x512xf32>
      %eq3A_349 = vector.broadcast %broadcast_in_dim3A_348 : vector<64x1x512xf32> to vector<64x32x512xf32>
      %eq3A_350 = arith.cmpf oeq, %eq3A_349, %add3A_35 : vector<64x32x512xf32>
      %convert_element_type3A_351 = arith.extui %eq3A_350 : vector<64x32x512xi1> to vector<64x32x512xi32>
      %convert_element_type3A_352 = arith.sitofp %convert_element_type3A_351 : vector<64x32x512xi32> to vector<64x32x512xf32>
      %reshape3A_353 = vector.shape_cast %convert_element_type3A_352 : vector<64x32x512xf32> to vector<2048x512xf32>
      %iota3A_354 = tpu.iota {dimensions = array<i32: 1>} : vector<1x512xi32>
      %convert_element_type3A_355 = arith.sitofp %iota3A_354 : vector<1x512xi32> to vector<1x512xf32>
      %add3A_356 = arith.constant 4.096000e+03 : f32
      %add3A_357 = vector.broadcast %add3A_356 : f32 to vector<1x512xf32>
      %add3A_358 = arith.addf %convert_element_type3A_355, %add3A_357 : vector<1x512xf32>
      %concatenate3A_359 = tpu.concatenate %slice3A_338, %add3A_358 in 0 : vector<3x512xf32>, vector<1x512xf32> -> vector<4x512xf32>
      %dot_general3A_360 = arith.constant dense<0.000000e+00> : vector<4x2048xf32>
      %dot_general3A_361 = tpu.matmul %concatenate3A_359, %reshape3A_353, %dot_general3A_360 {dimension_numbers = #tpu.dot_dimension_numbers<[1], [1], [0], [0], [0, 0, 1, 0], [], []>, precision = #tpu.contract_precision<fp32>, transpose_lhs_hint = false} : vector<4x512xf32>, vector<2048x512xf32>, vector<4x2048xf32> -> vector<4x2048xf32>
      %add3A_362 = arith.addf %cond3A_135#0, %dot_general3A_361 : vector<4x2048xf32>
      %slice3A_363 = vector.extract_strided_slice %add3A_343 {offsets = [0, 511], sizes = [64, 1], strides = [1, 1]} : vector<64x512xf32> to vector<64x1xf32>
      scf.yield %add3A_362, %slice3A_363 : vector<4x2048xf32>, vector<64x1xf32>
    } else {
      scf.yield %cond3A_135#0, %cond3A_135#1 : vector<4x2048xf32>, vector<64x1xf32>
    }
    %reduce_min3A_147 = vector.shape_cast %cond3A_146#1 : vector<64x1xf32> to vector<1x64x1xf32>
    %reduce_min3A_148 = arith.constant dense<0x7F800000> : vector<1xf32>
    %reduce_min3A_149 = vector.multi_reduction <minimumf>, %reduce_min3A_147, %reduce_min3A_148 [1, 2] : vector<1x64x1xf32> to vector<1xf32>
    %reduce_min3A_150 = vector.shape_cast %reduce_min3A_149 : vector<1xf32> to vector<1x1x1xf32>
    %reduce_min3A_151 = vector.extract %reduce_min3A_150[0, 0, 0] : f32 from vector<1x1x1xf32>
    %lt3A_152 = arith.constant 3.200000e+01 : f32
    %lt3A_153 = arith.cmpf olt, %reduce_min3A_151, %lt3A_152 : f32
    %convert_element_type3A_154 = arith.extui %lt3A_153 : i1 to i32
    %cond3A_155 = arith.constant 0 : i32
    %cond3A_156 = arith.cmpi ne, %convert_element_type3A_154, %cond3A_155 : i32
    %cond3A_157:2 = scf.if %cond3A_156 -> (vector<4x2048xf32>, vector<64x1xf32>) {
      %slice3A_338 = vector.extract_strided_slice %get3A_3 {offsets = [0, 4608], sizes = [3, 512], strides = [1, 1]} : vector<3x8192xf32> to vector<3x512xf32>
      %slice3A_339 = vector.extract_strided_slice %convert_element_type3A_23 {offsets = [0, 4608], sizes = [64, 512], strides = [1, 1]} : vector<64x8192xf32> to vector<64x512xf32>
      %dot_general3A_340 = arith.constant dense<0.000000e+00> : vector<64x512xf32>
      %dot_general3A_341 = tpu.matmul %slice3A_339, %convert_element_type3A_27, %dot_general3A_340 {dimension_numbers = #tpu.dot_dimension_numbers<[1], [0], [0], [1], [0, 0, 1, 1], [], []>, precision = #tpu.contract_precision<fp32>, transpose_lhs_hint = false} : vector<64x512xf32>, vector<512x512xf32>, vector<64x512xf32> -> vector<64x512xf32>
      %add3A_342 = vector.broadcast %cond3A_146#1 : vector<64x1xf32> to vector<64x512xf32>
      %add3A_343 = arith.addf %dot_general3A_341, %add3A_342 : vector<64x512xf32>
      %mul3A_344 = arith.constant 2.000000e+00 : f32
      %mul3A_345 = vector.broadcast %mul3A_344 : f32 to vector<64x512xf32>
      %mul3A_346 = arith.mulf %mul3A_345, %add3A_343 : vector<64x512xf32>
      %sub3A_347 = arith.subf %mul3A_346, %slice3A_339 : vector<64x512xf32>
      %broadcast_in_dim3A_348 = vector.shape_cast %sub3A_347 : vector<64x512xf32> to vector<64x1x512xf32>
      %eq3A_349 = vector.broadcast %broadcast_in_dim3A_348 : vector<64x1x512xf32> to vector<64x32x512xf32>
      %eq3A_350 = arith.cmpf oeq, %eq3A_349, %add3A_35 : vector<64x32x512xf32>
      %convert_element_type3A_351 = arith.extui %eq3A_350 : vector<64x32x512xi1> to vector<64x32x512xi32>
      %convert_element_type3A_352 = arith.sitofp %convert_element_type3A_351 : vector<64x32x512xi32> to vector<64x32x512xf32>
      %reshape3A_353 = vector.shape_cast %convert_element_type3A_352 : vector<64x32x512xf32> to vector<2048x512xf32>
      %iota3A_354 = tpu.iota {dimensions = array<i32: 1>} : vector<1x512xi32>
      %convert_element_type3A_355 = arith.sitofp %iota3A_354 : vector<1x512xi32> to vector<1x512xf32>
      %add3A_356 = arith.constant 4.608000e+03 : f32
      %add3A_357 = vector.broadcast %add3A_356 : f32 to vector<1x512xf32>
      %add3A_358 = arith.addf %convert_element_type3A_355, %add3A_357 : vector<1x512xf32>
      %concatenate3A_359 = tpu.concatenate %slice3A_338, %add3A_358 in 0 : vector<3x512xf32>, vector<1x512xf32> -> vector<4x512xf32>
      %dot_general3A_360 = arith.constant dense<0.000000e+00> : vector<4x2048xf32>
      %dot_general3A_361 = tpu.matmul %concatenate3A_359, %reshape3A_353, %dot_general3A_360 {dimension_numbers = #tpu.dot_dimension_numbers<[1], [1], [0], [0], [0, 0, 1, 0], [], []>, precision = #tpu.contract_precision<fp32>, transpose_lhs_hint = false} : vector<4x512xf32>, vector<2048x512xf32>, vector<4x2048xf32> -> vector<4x2048xf32>
      %add3A_362 = arith.addf %cond3A_146#0, %dot_general3A_361 : vector<4x2048xf32>
      %slice3A_363 = vector.extract_strided_slice %add3A_343 {offsets = [0, 511], sizes = [64, 1], strides = [1, 1]} : vector<64x512xf32> to vector<64x1xf32>
      scf.yield %add3A_362, %slice3A_363 : vector<4x2048xf32>, vector<64x1xf32>
    } else {
      scf.yield %cond3A_146#0, %cond3A_146#1 : vector<4x2048xf32>, vector<64x1xf32>
    }
    %reduce_min3A_158 = vector.shape_cast %cond3A_157#1 : vector<64x1xf32> to vector<1x64x1xf32>
    %reduce_min3A_159 = arith.constant dense<0x7F800000> : vector<1xf32>
    %reduce_min3A_160 = vector.multi_reduction <minimumf>, %reduce_min3A_158, %reduce_min3A_159 [1, 2] : vector<1x64x1xf32> to vector<1xf32>
    %reduce_min3A_161 = vector.shape_cast %reduce_min3A_160 : vector<1xf32> to vector<1x1x1xf32>
    %reduce_min3A_162 = vector.extract %reduce_min3A_161[0, 0, 0] : f32 from vector<1x1x1xf32>
    %lt3A_163 = arith.constant 3.200000e+01 : f32
    %lt3A_164 = arith.cmpf olt, %reduce_min3A_162, %lt3A_163 : f32
    %convert_element_type3A_165 = arith.extui %lt3A_164 : i1 to i32
    %cond3A_166 = arith.constant 0 : i32
    %cond3A_167 = arith.cmpi ne, %convert_element_type3A_165, %cond3A_166 : i32
    %cond3A_168:2 = scf.if %cond3A_167 -> (vector<4x2048xf32>, vector<64x1xf32>) {
      %slice3A_338 = vector.extract_strided_slice %get3A_3 {offsets = [0, 5120], sizes = [3, 512], strides = [1, 1]} : vector<3x8192xf32> to vector<3x512xf32>
      %slice3A_339 = vector.extract_strided_slice %convert_element_type3A_23 {offsets = [0, 5120], sizes = [64, 512], strides = [1, 1]} : vector<64x8192xf32> to vector<64x512xf32>
      %dot_general3A_340 = arith.constant dense<0.000000e+00> : vector<64x512xf32>
      %dot_general3A_341 = tpu.matmul %slice3A_339, %convert_element_type3A_27, %dot_general3A_340 {dimension_numbers = #tpu.dot_dimension_numbers<[1], [0], [0], [1], [0, 0, 1, 1], [], []>, precision = #tpu.contract_precision<fp32>, transpose_lhs_hint = false} : vector<64x512xf32>, vector<512x512xf32>, vector<64x512xf32> -> vector<64x512xf32>
      %add3A_342 = vector.broadcast %cond3A_157#1 : vector<64x1xf32> to vector<64x512xf32>
      %add3A_343 = arith.addf %dot_general3A_341, %add3A_342 : vector<64x512xf32>
      %mul3A_344 = arith.constant 2.000000e+00 : f32
      %mul3A_345 = vector.broadcast %mul3A_344 : f32 to vector<64x512xf32>
      %mul3A_346 = arith.mulf %mul3A_345, %add3A_343 : vector<64x512xf32>
      %sub3A_347 = arith.subf %mul3A_346, %slice3A_339 : vector<64x512xf32>
      %broadcast_in_dim3A_348 = vector.shape_cast %sub3A_347 : vector<64x512xf32> to vector<64x1x512xf32>
      %eq3A_349 = vector.broadcast %broadcast_in_dim3A_348 : vector<64x1x512xf32> to vector<64x32x512xf32>
      %eq3A_350 = arith.cmpf oeq, %eq3A_349, %add3A_35 : vector<64x32x512xf32>
      %convert_element_type3A_351 = arith.extui %eq3A_350 : vector<64x32x512xi1> to vector<64x32x512xi32>
      %convert_element_type3A_352 = arith.sitofp %convert_element_type3A_351 : vector<64x32x512xi32> to vector<64x32x512xf32>
      %reshape3A_353 = vector.shape_cast %convert_element_type3A_352 : vector<64x32x512xf32> to vector<2048x512xf32>
      %iota3A_354 = tpu.iota {dimensions = array<i32: 1>} : vector<1x512xi32>
      %convert_element_type3A_355 = arith.sitofp %iota3A_354 : vector<1x512xi32> to vector<1x512xf32>
      %add3A_356 = arith.constant 5.120000e+03 : f32
      %add3A_357 = vector.broadcast %add3A_356 : f32 to vector<1x512xf32>
      %add3A_358 = arith.addf %convert_element_type3A_355, %add3A_357 : vector<1x512xf32>
      %concatenate3A_359 = tpu.concatenate %slice3A_338, %add3A_358 in 0 : vector<3x512xf32>, vector<1x512xf32> -> vector<4x512xf32>
      %dot_general3A_360 = arith.constant dense<0.000000e+00> : vector<4x2048xf32>
      %dot_general3A_361 = tpu.matmul %concatenate3A_359, %reshape3A_353, %dot_general3A_360 {dimension_numbers = #tpu.dot_dimension_numbers<[1], [1], [0], [0], [0, 0, 1, 0], [], []>, precision = #tpu.contract_precision<fp32>, transpose_lhs_hint = false} : vector<4x512xf32>, vector<2048x512xf32>, vector<4x2048xf32> -> vector<4x2048xf32>
      %add3A_362 = arith.addf %cond3A_157#0, %dot_general3A_361 : vector<4x2048xf32>
      %slice3A_363 = vector.extract_strided_slice %add3A_343 {offsets = [0, 511], sizes = [64, 1], strides = [1, 1]} : vector<64x512xf32> to vector<64x1xf32>
      scf.yield %add3A_362, %slice3A_363 : vector<4x2048xf32>, vector<64x1xf32>
    } else {
      scf.yield %cond3A_157#0, %cond3A_157#1 : vector<4x2048xf32>, vector<64x1xf32>
    }
    %reduce_min3A_169 = vector.shape_cast %cond3A_168#1 : vector<64x1xf32> to vector<1x64x1xf32>
    %reduce_min3A_170 = arith.constant dense<0x7F800000> : vector<1xf32>
    %reduce_min3A_171 = vector.multi_reduction <minimumf>, %reduce_min3A_169, %reduce_min3A_170 [1, 2] : vector<1x64x1xf32> to vector<1xf32>
    %reduce_min3A_172 = vector.shape_cast %reduce_min3A_171 : vector<1xf32> to vector<1x1x1xf32>
    %reduce_min3A_173 = vector.extract %reduce_min3A_172[0, 0, 0] : f32 from vector<1x1x1xf32>
    %lt3A_174 = arith.constant 3.200000e+01 : f32
    %lt3A_175 = arith.cmpf olt, %reduce_min3A_173, %lt3A_174 : f32
    %convert_element_type3A_176 = arith.extui %lt3A_175 : i1 to i32
    %cond3A_177 = arith.constant 0 : i32
    %cond3A_178 = arith.cmpi ne, %convert_element_type3A_176, %cond3A_177 : i32
    %cond3A_179:2 = scf.if %cond3A_178 -> (vector<4x2048xf32>, vector<64x1xf32>) {
      %slice3A_338 = vector.extract_strided_slice %get3A_3 {offsets = [0, 5632], sizes = [3, 512], strides = [1, 1]} : vector<3x8192xf32> to vector<3x512xf32>
      %slice3A_339 = vector.extract_strided_slice %convert_element_type3A_23 {offsets = [0, 5632], sizes = [64, 512], strides = [1, 1]} : vector<64x8192xf32> to vector<64x512xf32>
      %dot_general3A_340 = arith.constant dense<0.000000e+00> : vector<64x512xf32>
      %dot_general3A_341 = tpu.matmul %slice3A_339, %convert_element_type3A_27, %dot_general3A_340 {dimension_numbers = #tpu.dot_dimension_numbers<[1], [0], [0], [1], [0, 0, 1, 1], [], []>, precision = #tpu.contract_precision<fp32>, transpose_lhs_hint = false} : vector<64x512xf32>, vector<512x512xf32>, vector<64x512xf32> -> vector<64x512xf32>
      %add3A_342 = vector.broadcast %cond3A_168#1 : vector<64x1xf32> to vector<64x512xf32>
      %add3A_343 = arith.addf %dot_general3A_341, %add3A_342 : vector<64x512xf32>
      %mul3A_344 = arith.constant 2.000000e+00 : f32
      %mul3A_345 = vector.broadcast %mul3A_344 : f32 to vector<64x512xf32>
      %mul3A_346 = arith.mulf %mul3A_345, %add3A_343 : vector<64x512xf32>
      %sub3A_347 = arith.subf %mul3A_346, %slice3A_339 : vector<64x512xf32>
      %broadcast_in_dim3A_348 = vector.shape_cast %sub3A_347 : vector<64x512xf32> to vector<64x1x512xf32>
      %eq3A_349 = vector.broadcast %broadcast_in_dim3A_348 : vector<64x1x512xf32> to vector<64x32x512xf32>
      %eq3A_350 = arith.cmpf oeq, %eq3A_349, %add3A_35 : vector<64x32x512xf32>
      %convert_element_type3A_351 = arith.extui %eq3A_350 : vector<64x32x512xi1> to vector<64x32x512xi32>
      %convert_element_type3A_352 = arith.sitofp %convert_element_type3A_351 : vector<64x32x512xi32> to vector<64x32x512xf32>
      %reshape3A_353 = vector.shape_cast %convert_element_type3A_352 : vector<64x32x512xf32> to vector<2048x512xf32>
      %iota3A_354 = tpu.iota {dimensions = array<i32: 1>} : vector<1x512xi32>
      %convert_element_type3A_355 = arith.sitofp %iota3A_354 : vector<1x512xi32> to vector<1x512xf32>
      %add3A_356 = arith.constant 5.632000e+03 : f32
      %add3A_357 = vector.broadcast %add3A_356 : f32 to vector<1x512xf32>
      %add3A_358 = arith.addf %convert_element_type3A_355, %add3A_357 : vector<1x512xf32>
      %concatenate3A_359 = tpu.concatenate %slice3A_338, %add3A_358 in 0 : vector<3x512xf32>, vector<1x512xf32> -> vector<4x512xf32>
      %dot_general3A_360 = arith.constant dense<0.000000e+00> : vector<4x2048xf32>
      %dot_general3A_361 = tpu.matmul %concatenate3A_359, %reshape3A_353, %dot_general3A_360 {dimension_numbers = #tpu.dot_dimension_numbers<[1], [1], [0], [0], [0, 0, 1, 0], [], []>, precision = #tpu.contract_precision<fp32>, transpose_lhs_hint = false} : vector<4x512xf32>, vector<2048x512xf32>, vector<4x2048xf32> -> vector<4x2048xf32>
      %add3A_362 = arith.addf %cond3A_168#0, %dot_general3A_361 : vector<4x2048xf32>
      %slice3A_363 = vector.extract_strided_slice %add3A_343 {offsets = [0, 511], sizes = [64, 1], strides = [1, 1]} : vector<64x512xf32> to vector<64x1xf32>
      scf.yield %add3A_362, %slice3A_363 : vector<4x2048xf32>, vector<64x1xf32>
    } else {
      scf.yield %cond3A_168#0, %cond3A_168#1 : vector<4x2048xf32>, vector<64x1xf32>
    }
    %reduce_min3A_180 = vector.shape_cast %cond3A_179#1 : vector<64x1xf32> to vector<1x64x1xf32>
    %reduce_min3A_181 = arith.constant dense<0x7F800000> : vector<1xf32>
    %reduce_min3A_182 = vector.multi_reduction <minimumf>, %reduce_min3A_180, %reduce_min3A_181 [1, 2] : vector<1x64x1xf32> to vector<1xf32>
    %reduce_min3A_183 = vector.shape_cast %reduce_min3A_182 : vector<1xf32> to vector<1x1x1xf32>
    %reduce_min3A_184 = vector.extract %reduce_min3A_183[0, 0, 0] : f32 from vector<1x1x1xf32>
    %lt3A_185 = arith.constant 3.200000e+01 : f32
    %lt3A_186 = arith.cmpf olt, %reduce_min3A_184, %lt3A_185 : f32
    %convert_element_type3A_187 = arith.extui %lt3A_186 : i1 to i32
    %cond3A_188 = arith.constant 0 : i32
    %cond3A_189 = arith.cmpi ne, %convert_element_type3A_187, %cond3A_188 : i32
    %cond3A_190:2 = scf.if %cond3A_189 -> (vector<4x2048xf32>, vector<64x1xf32>) {
      %slice3A_338 = vector.extract_strided_slice %get3A_3 {offsets = [0, 6144], sizes = [3, 512], strides = [1, 1]} : vector<3x8192xf32> to vector<3x512xf32>
      %slice3A_339 = vector.extract_strided_slice %convert_element_type3A_23 {offsets = [0, 6144], sizes = [64, 512], strides = [1, 1]} : vector<64x8192xf32> to vector<64x512xf32>
      %dot_general3A_340 = arith.constant dense<0.000000e+00> : vector<64x512xf32>
      %dot_general3A_341 = tpu.matmul %slice3A_339, %convert_element_type3A_27, %dot_general3A_340 {dimension_numbers = #tpu.dot_dimension_numbers<[1], [0], [0], [1], [0, 0, 1, 1], [], []>, precision = #tpu.contract_precision<fp32>, transpose_lhs_hint = false} : vector<64x512xf32>, vector<512x512xf32>, vector<64x512xf32> -> vector<64x512xf32>
      %add3A_342 = vector.broadcast %cond3A_179#1 : vector<64x1xf32> to vector<64x512xf32>
      %add3A_343 = arith.addf %dot_general3A_341, %add3A_342 : vector<64x512xf32>
      %mul3A_344 = arith.constant 2.000000e+00 : f32
      %mul3A_345 = vector.broadcast %mul3A_344 : f32 to vector<64x512xf32>
      %mul3A_346 = arith.mulf %mul3A_345, %add3A_343 : vector<64x512xf32>
      %sub3A_347 = arith.subf %mul3A_346, %slice3A_339 : vector<64x512xf32>
      %broadcast_in_dim3A_348 = vector.shape_cast %sub3A_347 : vector<64x512xf32> to vector<64x1x512xf32>
      %eq3A_349 = vector.broadcast %broadcast_in_dim3A_348 : vector<64x1x512xf32> to vector<64x32x512xf32>
      %eq3A_350 = arith.cmpf oeq, %eq3A_349, %add3A_35 : vector<64x32x512xf32>
      %convert_element_type3A_351 = arith.extui %eq3A_350 : vector<64x32x512xi1> to vector<64x32x512xi32>
      %convert_element_type3A_352 = arith.sitofp %convert_element_type3A_351 : vector<64x32x512xi32> to vector<64x32x512xf32>
      %reshape3A_353 = vector.shape_cast %convert_element_type3A_352 : vector<64x32x512xf32> to vector<2048x512xf32>
      %iota3A_354 = tpu.iota {dimensions = array<i32: 1>} : vector<1x512xi32>
      %convert_element_type3A_355 = arith.sitofp %iota3A_354 : vector<1x512xi32> to vector<1x512xf32>
      %add3A_356 = arith.constant 6.144000e+03 : f32
      %add3A_357 = vector.broadcast %add3A_356 : f32 to vector<1x512xf32>
      %add3A_358 = arith.addf %convert_element_type3A_355, %add3A_357 : vector<1x512xf32>
      %concatenate3A_359 = tpu.concatenate %slice3A_338, %add3A_358 in 0 : vector<3x512xf32>, vector<1x512xf32> -> vector<4x512xf32>
      %dot_general3A_360 = arith.constant dense<0.000000e+00> : vector<4x2048xf32>
      %dot_general3A_361 = tpu.matmul %concatenate3A_359, %reshape3A_353, %dot_general3A_360 {dimension_numbers = #tpu.dot_dimension_numbers<[1], [1], [0], [0], [0, 0, 1, 0], [], []>, precision = #tpu.contract_precision<fp32>, transpose_lhs_hint = false} : vector<4x512xf32>, vector<2048x512xf32>, vector<4x2048xf32> -> vector<4x2048xf32>
      %add3A_362 = arith.addf %cond3A_179#0, %dot_general3A_361 : vector<4x2048xf32>
      %slice3A_363 = vector.extract_strided_slice %add3A_343 {offsets = [0, 511], sizes = [64, 1], strides = [1, 1]} : vector<64x512xf32> to vector<64x1xf32>
      scf.yield %add3A_362, %slice3A_363 : vector<4x2048xf32>, vector<64x1xf32>
    } else {
      scf.yield %cond3A_179#0, %cond3A_179#1 : vector<4x2048xf32>, vector<64x1xf32>
    }
    %reduce_min3A_191 = vector.shape_cast %cond3A_190#1 : vector<64x1xf32> to vector<1x64x1xf32>
    %reduce_min3A_192 = arith.constant dense<0x7F800000> : vector<1xf32>
    %reduce_min3A_193 = vector.multi_reduction <minimumf>, %reduce_min3A_191, %reduce_min3A_192 [1, 2] : vector<1x64x1xf32> to vector<1xf32>
    %reduce_min3A_194 = vector.shape_cast %reduce_min3A_193 : vector<1xf32> to vector<1x1x1xf32>
    %reduce_min3A_195 = vector.extract %reduce_min3A_194[0, 0, 0] : f32 from vector<1x1x1xf32>
    %lt3A_196 = arith.constant 3.200000e+01 : f32
    %lt3A_197 = arith.cmpf olt, %reduce_min3A_195, %lt3A_196 : f32
    %convert_element_type3A_198 = arith.extui %lt3A_197 : i1 to i32
    %cond3A_199 = arith.constant 0 : i32
    %cond3A_200 = arith.cmpi ne, %convert_element_type3A_198, %cond3A_199 : i32
    %cond3A_201:2 = scf.if %cond3A_200 -> (vector<4x2048xf32>, vector<64x1xf32>) {
      %slice3A_338 = vector.extract_strided_slice %get3A_3 {offsets = [0, 6656], sizes = [3, 512], strides = [1, 1]} : vector<3x8192xf32> to vector<3x512xf32>
      %slice3A_339 = vector.extract_strided_slice %convert_element_type3A_23 {offsets = [0, 6656], sizes = [64, 512], strides = [1, 1]} : vector<64x8192xf32> to vector<64x512xf32>
      %dot_general3A_340 = arith.constant dense<0.000000e+00> : vector<64x512xf32>
      %dot_general3A_341 = tpu.matmul %slice3A_339, %convert_element_type3A_27, %dot_general3A_340 {dimension_numbers = #tpu.dot_dimension_numbers<[1], [0], [0], [1], [0, 0, 1, 1], [], []>, precision = #tpu.contract_precision<fp32>, transpose_lhs_hint = false} : vector<64x512xf32>, vector<512x512xf32>, vector<64x512xf32> -> vector<64x512xf32>
      %add3A_342 = vector.broadcast %cond3A_190#1 : vector<64x1xf32> to vector<64x512xf32>
      %add3A_343 = arith.addf %dot_general3A_341, %add3A_342 : vector<64x512xf32>
      %mul3A_344 = arith.constant 2.000000e+00 : f32
      %mul3A_345 = vector.broadcast %mul3A_344 : f32 to vector<64x512xf32>
      %mul3A_346 = arith.mulf %mul3A_345, %add3A_343 : vector<64x512xf32>
      %sub3A_347 = arith.subf %mul3A_346, %slice3A_339 : vector<64x512xf32>
      %broadcast_in_dim3A_348 = vector.shape_cast %sub3A_347 : vector<64x512xf32> to vector<64x1x512xf32>
      %eq3A_349 = vector.broadcast %broadcast_in_dim3A_348 : vector<64x1x512xf32> to vector<64x32x512xf32>
      %eq3A_350 = arith.cmpf oeq, %eq3A_349, %add3A_35 : vector<64x32x512xf32>
      %convert_element_type3A_351 = arith.extui %eq3A_350 : vector<64x32x512xi1> to vector<64x32x512xi32>
      %convert_element_type3A_352 = arith.sitofp %convert_element_type3A_351 : vector<64x32x512xi32> to vector<64x32x512xf32>
      %reshape3A_353 = vector.shape_cast %convert_element_type3A_352 : vector<64x32x512xf32> to vector<2048x512xf32>
      %iota3A_354 = tpu.iota {dimensions = array<i32: 1>} : vector<1x512xi32>
      %convert_element_type3A_355 = arith.sitofp %iota3A_354 : vector<1x512xi32> to vector<1x512xf32>
      %add3A_356 = arith.constant 6.656000e+03 : f32
      %add3A_357 = vector.broadcast %add3A_356 : f32 to vector<1x512xf32>
      %add3A_358 = arith.addf %convert_element_type3A_355, %add3A_357 : vector<1x512xf32>
      %concatenate3A_359 = tpu.concatenate %slice3A_338, %add3A_358 in 0 : vector<3x512xf32>, vector<1x512xf32> -> vector<4x512xf32>
      %dot_general3A_360 = arith.constant dense<0.000000e+00> : vector<4x2048xf32>
      %dot_general3A_361 = tpu.matmul %concatenate3A_359, %reshape3A_353, %dot_general3A_360 {dimension_numbers = #tpu.dot_dimension_numbers<[1], [1], [0], [0], [0, 0, 1, 0], [], []>, precision = #tpu.contract_precision<fp32>, transpose_lhs_hint = false} : vector<4x512xf32>, vector<2048x512xf32>, vector<4x2048xf32> -> vector<4x2048xf32>
      %add3A_362 = arith.addf %cond3A_190#0, %dot_general3A_361 : vector<4x2048xf32>
      %slice3A_363 = vector.extract_strided_slice %add3A_343 {offsets = [0, 511], sizes = [64, 1], strides = [1, 1]} : vector<64x512xf32> to vector<64x1xf32>
      scf.yield %add3A_362, %slice3A_363 : vector<4x2048xf32>, vector<64x1xf32>
    } else {
      scf.yield %cond3A_190#0, %cond3A_190#1 : vector<4x2048xf32>, vector<64x1xf32>
    }
    %reduce_min3A_202 = vector.shape_cast %cond3A_201#1 : vector<64x1xf32> to vector<1x64x1xf32>
    %reduce_min3A_203 = arith.constant dense<0x7F800000> : vector<1xf32>
    %reduce_min3A_204 = vector.multi_reduction <minimumf>, %reduce_min3A_202, %reduce_min3A_203 [1, 2] : vector<1x64x1xf32> to vector<1xf32>
    %reduce_min3A_205 = vector.shape_cast %reduce_min3A_204 : vector<1xf32> to vector<1x1x1xf32>
    %reduce_min3A_206 = vector.extract %reduce_min3A_205[0, 0, 0] : f32 from vector<1x1x1xf32>
    %lt3A_207 = arith.constant 3.200000e+01 : f32
    %lt3A_208 = arith.cmpf olt, %reduce_min3A_206, %lt3A_207 : f32
    %convert_element_type3A_209 = arith.extui %lt3A_208 : i1 to i32
    %cond3A_210 = arith.constant 0 : i32
    %cond3A_211 = arith.cmpi ne, %convert_element_type3A_209, %cond3A_210 : i32
    %cond3A_212:2 = scf.if %cond3A_211 -> (vector<4x2048xf32>, vector<64x1xf32>) {
      %slice3A_338 = vector.extract_strided_slice %get3A_3 {offsets = [0, 7168], sizes = [3, 512], strides = [1, 1]} : vector<3x8192xf32> to vector<3x512xf32>
      %slice3A_339 = vector.extract_strided_slice %convert_element_type3A_23 {offsets = [0, 7168], sizes = [64, 512], strides = [1, 1]} : vector<64x8192xf32> to vector<64x512xf32>
      %dot_general3A_340 = arith.constant dense<0.000000e+00> : vector<64x512xf32>
      %dot_general3A_341 = tpu.matmul %slice3A_339, %convert_element_type3A_27, %dot_general3A_340 {dimension_numbers = #tpu.dot_dimension_numbers<[1], [0], [0], [1], [0, 0, 1, 1], [], []>, precision = #tpu.contract_precision<fp32>, transpose_lhs_hint = false} : vector<64x512xf32>, vector<512x512xf32>, vector<64x512xf32> -> vector<64x512xf32>
      %add3A_342 = vector.broadcast %cond3A_201#1 : vector<64x1xf32> to vector<64x512xf32>
      %add3A_343 = arith.addf %dot_general3A_341, %add3A_342 : vector<64x512xf32>
      %mul3A_344 = arith.constant 2.000000e+00 : f32
      %mul3A_345 = vector.broadcast %mul3A_344 : f32 to vector<64x512xf32>
      %mul3A_346 = arith.mulf %mul3A_345, %add3A_343 : vector<64x512xf32>
      %sub3A_347 = arith.subf %mul3A_346, %slice3A_339 : vector<64x512xf32>
      %broadcast_in_dim3A_348 = vector.shape_cast %sub3A_347 : vector<64x512xf32> to vector<64x1x512xf32>
      %eq3A_349 = vector.broadcast %broadcast_in_dim3A_348 : vector<64x1x512xf32> to vector<64x32x512xf32>
      %eq3A_350 = arith.cmpf oeq, %eq3A_349, %add3A_35 : vector<64x32x512xf32>
      %convert_element_type3A_351 = arith.extui %eq3A_350 : vector<64x32x512xi1> to vector<64x32x512xi32>
      %convert_element_type3A_352 = arith.sitofp %convert_element_type3A_351 : vector<64x32x512xi32> to vector<64x32x512xf32>
      %reshape3A_353 = vector.shape_cast %convert_element_type3A_352 : vector<64x32x512xf32> to vector<2048x512xf32>
      %iota3A_354 = tpu.iota {dimensions = array<i32: 1>} : vector<1x512xi32>
      %convert_element_type3A_355 = arith.sitofp %iota3A_354 : vector<1x512xi32> to vector<1x512xf32>
      %add3A_356 = arith.constant 7.168000e+03 : f32
      %add3A_357 = vector.broadcast %add3A_356 : f32 to vector<1x512xf32>
      %add3A_358 = arith.addf %convert_element_type3A_355, %add3A_357 : vector<1x512xf32>
      %concatenate3A_359 = tpu.concatenate %slice3A_338, %add3A_358 in 0 : vector<3x512xf32>, vector<1x512xf32> -> vector<4x512xf32>
      %dot_general3A_360 = arith.constant dense<0.000000e+00> : vector<4x2048xf32>
      %dot_general3A_361 = tpu.matmul %concatenate3A_359, %reshape3A_353, %dot_general3A_360 {dimension_numbers = #tpu.dot_dimension_numbers<[1], [1], [0], [0], [0, 0, 1, 0], [], []>, precision = #tpu.contract_precision<fp32>, transpose_lhs_hint = false} : vector<4x512xf32>, vector<2048x512xf32>, vector<4x2048xf32> -> vector<4x2048xf32>
      %add3A_362 = arith.addf %cond3A_201#0, %dot_general3A_361 : vector<4x2048xf32>
      %slice3A_363 = vector.extract_strided_slice %add3A_343 {offsets = [0, 511], sizes = [64, 1], strides = [1, 1]} : vector<64x512xf32> to vector<64x1xf32>
      scf.yield %add3A_362, %slice3A_363 : vector<4x2048xf32>, vector<64x1xf32>
    } else {
      scf.yield %cond3A_201#0, %cond3A_201#1 : vector<4x2048xf32>, vector<64x1xf32>
    }
    %reduce_min3A_213 = vector.shape_cast %cond3A_212#1 : vector<64x1xf32> to vector<1x64x1xf32>
    %reduce_min3A_214 = arith.constant dense<0x7F800000> : vector<1xf32>
    %reduce_min3A_215 = vector.multi_reduction <minimumf>, %reduce_min3A_213, %reduce_min3A_214 [1, 2] : vector<1x64x1xf32> to vector<1xf32>
    %reduce_min3A_216 = vector.shape_cast %reduce_min3A_215 : vector<1xf32> to vector<1x1x1xf32>
    %reduce_min3A_217 = vector.extract %reduce_min3A_216[0, 0, 0] : f32 from vector<1x1x1xf32>
    %lt3A_218 = arith.constant 3.200000e+01 : f32
    %lt3A_219 = arith.cmpf olt, %reduce_min3A_217, %lt3A_218 : f32
    %convert_element_type3A_220 = arith.extui %lt3A_219 : i1 to i32
    %cond3A_221 = arith.constant 0 : i32
    %cond3A_222 = arith.cmpi ne, %convert_element_type3A_220, %cond3A_221 : i32
    %cond3A_223:2 = scf.if %cond3A_222 -> (vector<4x2048xf32>, vector<64x1xf32>) {
      %slice3A_338 = vector.extract_strided_slice %get3A_3 {offsets = [0, 7680], sizes = [3, 512], strides = [1, 1]} : vector<3x8192xf32> to vector<3x512xf32>
      %slice3A_339 = vector.extract_strided_slice %convert_element_type3A_23 {offsets = [0, 7680], sizes = [64, 512], strides = [1, 1]} : vector<64x8192xf32> to vector<64x512xf32>
      %dot_general3A_340 = arith.constant dense<0.000000e+00> : vector<64x512xf32>
      %dot_general3A_341 = tpu.matmul %slice3A_339, %convert_element_type3A_27, %dot_general3A_340 {dimension_numbers = #tpu.dot_dimension_numbers<[1], [0], [0], [1], [0, 0, 1, 1], [], []>, precision = #tpu.contract_precision<fp32>, transpose_lhs_hint = false} : vector<64x512xf32>, vector<512x512xf32>, vector<64x512xf32> -> vector<64x512xf32>
      %add3A_342 = vector.broadcast %cond3A_212#1 : vector<64x1xf32> to vector<64x512xf32>
      %add3A_343 = arith.addf %dot_general3A_341, %add3A_342 : vector<64x512xf32>
      %mul3A_344 = arith.constant 2.000000e+00 : f32
      %mul3A_345 = vector.broadcast %mul3A_344 : f32 to vector<64x512xf32>
      %mul3A_346 = arith.mulf %mul3A_345, %add3A_343 : vector<64x512xf32>
      %sub3A_347 = arith.subf %mul3A_346, %slice3A_339 : vector<64x512xf32>
      %broadcast_in_dim3A_348 = vector.shape_cast %sub3A_347 : vector<64x512xf32> to vector<64x1x512xf32>
      %eq3A_349 = vector.broadcast %broadcast_in_dim3A_348 : vector<64x1x512xf32> to vector<64x32x512xf32>
      %eq3A_350 = arith.cmpf oeq, %eq3A_349, %add3A_35 : vector<64x32x512xf32>
      %convert_element_type3A_351 = arith.extui %eq3A_350 : vector<64x32x512xi1> to vector<64x32x512xi32>
      %convert_element_type3A_352 = arith.sitofp %convert_element_type3A_351 : vector<64x32x512xi32> to vector<64x32x512xf32>
      %reshape3A_353 = vector.shape_cast %convert_element_type3A_352 : vector<64x32x512xf32> to vector<2048x512xf32>
      %iota3A_354 = tpu.iota {dimensions = array<i32: 1>} : vector<1x512xi32>
      %convert_element_type3A_355 = arith.sitofp %iota3A_354 : vector<1x512xi32> to vector<1x512xf32>
      %add3A_356 = arith.constant 7.680000e+03 : f32
      %add3A_357 = vector.broadcast %add3A_356 : f32 to vector<1x512xf32>
      %add3A_358 = arith.addf %convert_element_type3A_355, %add3A_357 : vector<1x512xf32>
      %concatenate3A_359 = tpu.concatenate %slice3A_338, %add3A_358 in 0 : vector<3x512xf32>, vector<1x512xf32> -> vector<4x512xf32>
      %dot_general3A_360 = arith.constant dense<0.000000e+00> : vector<4x2048xf32>
      %dot_general3A_361 = tpu.matmul %concatenate3A_359, %reshape3A_353, %dot_general3A_360 {dimension_numbers = #tpu.dot_dimension_numbers<[1], [1], [0], [0], [0, 0, 1, 0], [], []>, precision = #tpu.contract_precision<fp32>, transpose_lhs_hint = false} : vector<4x512xf32>, vector<2048x512xf32>, vector<4x2048xf32> -> vector<4x2048xf32>
      %add3A_362 = arith.addf %cond3A_212#0, %dot_general3A_361 : vector<4x2048xf32>
      %slice3A_363 = vector.extract_strided_slice %add3A_343 {offsets = [0, 511], sizes = [64, 1], strides = [1, 1]} : vector<64x512xf32> to vector<64x1xf32>
      scf.yield %add3A_362, %slice3A_363 : vector<4x2048xf32>, vector<64x1xf32>
    } else {
      scf.yield %cond3A_212#0, %cond3A_212#1 : vector<4x2048xf32>, vector<64x1xf32>
    }
    %iota3A_224 = tpu.iota {dimensions = array<i32: 0>} : vector<64x2048xi32>
    %iota3A_225 = tpu.iota {dimensions = array<i32: 1>} : vector<64x2048xi32>
    %jit3A = arith.constant 32 : i32
    %div3A = vector.broadcast %jit3A : i32 to vector<64x2048xi32>
    %div3A_226 = arith.divsi %iota3A_225, %div3A : vector<64x2048xi32>
    %sign3A = arith.constant 0 : i32
    %sign3A_227 = vector.broadcast %sign3A : i32 to vector<64x2048xi32>
    %sign3A_228 = arith.cmpi sgt, %iota3A_225, %sign3A_227 : vector<64x2048xi32>
    %sign3A_229 = arith.extui %sign3A_228 : vector<64x2048xi1> to vector<64x2048xi32>
    %sign3A_230 = arith.constant 0 : i32
    %sign3A_231 = vector.broadcast %sign3A_230 : i32 to vector<64x2048xi32>
    %sign3A_232 = arith.cmpi slt, %iota3A_225, %sign3A_231 : vector<64x2048xi32>
    %sign3A_233 = arith.extui %sign3A_232 : vector<64x2048xi1> to vector<64x2048xi32>
    %sign3A_234 = arith.subi %sign3A_229, %sign3A_233 : vector<64x2048xi32>
    %sign3A_235 = arith.constant 0 : i32
    %sign3A_236 = arith.cmpi sgt, %jit3A, %sign3A_235 : i32
    %sign3A_237 = arith.extui %sign3A_236 : i1 to i32
    %sign3A_238 = arith.constant 0 : i32
    %sign3A_239 = arith.cmpi slt, %jit3A, %sign3A_238 : i32
    %sign3A_240 = arith.extui %sign3A_239 : i1 to i32
    %sign3A_241 = arith.subi %sign3A_237, %sign3A_240 : i32
    %ne3A = vector.broadcast %sign3A_241 : i32 to vector<64x2048xi32>
    %ne3A_242 = arith.cmpi ne, %sign3A_234, %ne3A : vector<64x2048xi32>
    %rem3A = vector.broadcast %jit3A : i32 to vector<64x2048xi32>
    %rem3A_243 = arith.remsi %iota3A_225, %rem3A : vector<64x2048xi32>
    %ne3A_244 = arith.constant 0 : i32
    %ne3A_245 = vector.broadcast %ne3A_244 : i32 to vector<64x2048xi32>
    %ne3A_246 = arith.cmpi ne, %rem3A_243, %ne3A_245 : vector<64x2048xi32>
    %and3A = arith.andi %ne3A_242, %ne3A_246 : vector<64x2048xi1>
    %sub3A_247 = arith.constant 1 : i32
    %sub3A_248 = vector.broadcast %sub3A_247 : i32 to vector<64x2048xi32>
    %sub3A_249 = arith.subi %div3A_226, %sub3A_248 : vector<64x2048xi32>
    %select_n3A = arith.select %and3A, %sub3A_249, %div3A_226 : vector<64x2048xi1>, vector<64x2048xi32>
    %eq3A_250 = arith.cmpi eq, %iota3A_224, %select_n3A : vector<64x2048xi32>
    %convert_element_type3A_251 = arith.extui %eq3A_250 : vector<64x2048xi1> to vector<64x2048xi32>
    %convert_element_type3A_252 = arith.sitofp %convert_element_type3A_251 : vector<64x2048xi32> to vector<64x2048xf32>
    %iota3A_253 = tpu.iota {dimensions = array<i32: 0>} : vector<2048x64xi32>
    %iota3A_254 = tpu.iota {dimensions = array<i32: 1>} : vector<2048x64xi32>
    %mul3A_255 = arith.constant 32 : i32
    %mul3A_256 = vector.broadcast %mul3A_255 : i32 to vector<2048x64xi32>
    %mul3A_257 = arith.muli %iota3A_254, %mul3A_256 : vector<2048x64xi32>
    %eq3A_258 = arith.cmpi eq, %iota3A_253, %mul3A_257 : vector<2048x64xi32>
    %convert_element_type3A_259 = arith.extui %eq3A_258 : vector<2048x64xi1> to vector<2048x64xi32>
    %convert_element_type3A_260 = arith.sitofp %convert_element_type3A_259 : vector<2048x64xi32> to vector<2048x64xf32>
    %iota3A_261 = tpu.iota {dimensions = array<i32: 1>} : vector<1x2048xi32>
    %jit3A_262 = arith.constant 32 : i32
    %eq3A_263 = arith.constant 0 : i32
    %eq3A_264 = arith.cmpi eq, %jit3A_262, %eq3A_263 : i32
    %jit3A_265 = arith.constant 1 : i32
    %select_n3A_266 = arith.select %eq3A_264, %jit3A_265, %jit3A_262 : i32
    %rem3A_267 = vector.broadcast %select_n3A_266 : i32 to vector<1x2048xi32>
    %rem3A_268 = arith.remsi %iota3A_261, %rem3A_267 : vector<1x2048xi32>
    %ne3A_269 = arith.constant 0 : i32
    %ne3A_270 = vector.broadcast %ne3A_269 : i32 to vector<1x2048xi32>
    %ne3A_271 = arith.cmpi ne, %rem3A_268, %ne3A_270 : vector<1x2048xi32>
    %lt3A_272 = arith.constant 0 : i32
    %lt3A_273 = vector.broadcast %lt3A_272 : i32 to vector<1x2048xi32>
    %lt3A_274 = arith.cmpi slt, %rem3A_268, %lt3A_273 : vector<1x2048xi32>
    %lt3A_275 = arith.constant 0 : i32
    %lt3A_276 = arith.cmpi slt, %select_n3A_266, %lt3A_275 : i32
    %ne3A_277 = vector.broadcast %lt3A_276 : i1 to vector<1x2048xi1>
    %ne3A_278 = vector.broadcast %ne3A_277 : vector<1x2048xi1> to vector<1x2048xi1>
    %ne3A_279 = arith.xori %lt3A_274, %ne3A_278 : vector<1x2048xi1>
    %and3A_280 = arith.andi %ne3A_279, %ne3A_271 : vector<1x2048xi1>
    %add3A_281 = vector.broadcast %select_n3A_266 : i32 to vector<1x2048xi32>
    %add3A_282 = arith.addi %rem3A_268, %add3A_281 : vector<1x2048xi32>
    %select_n3A_283 = arith.select %and3A_280, %add3A_282, %rem3A_268 : vector<1x2048xi1>, vector<1x2048xi32>
    %convert_element_type3A_284 = arith.sitofp %select_n3A_283 : vector<1x2048xi32> to vector<1x2048xf32>
    %iota3A_285 = tpu.iota {dimensions = array<i32: 0>} : vector<64x64xi32>
    %iota3A_286 = tpu.iota {dimensions = array<i32: 1>} : vector<64x64xi32>
    %eq3A_287 = arith.cmpi eq, %iota3A_285, %iota3A_286 : vector<64x64xi32>
    %convert_element_type3A_288 = arith.extui %eq3A_287 : vector<64x64xi1> to vector<64x64xi32>
    %convert_element_type3A_289 = arith.sitofp %convert_element_type3A_288 : vector<64x64xi32> to vector<64x64xf32>
    %dot_general3A_290 = arith.constant dense<0.000000e+00> : vector<4x64xf32>
    %dot_general3A_291 = tpu.matmul %cond3A_223#0, %convert_element_type3A_260, %dot_general3A_290 {dimension_numbers = #tpu.dot_dimension_numbers<[1], [0], [0], [1], [0, 0, 1, 1], [], []>, precision = #tpu.contract_precision<fp32>, transpose_lhs_hint = false} : vector<4x2048xf32>, vector<2048x64xf32>, vector<4x64xf32> -> vector<4x64xf32>
    %dot_general3A_292 = arith.constant dense<0.000000e+00> : vector<1x64xf32>
    %dot_general3A_293 = tpu.matmul %cond3A_223#1, %convert_element_type3A_289, %dot_general3A_292 {dimension_numbers = #tpu.dot_dimension_numbers<[0], [0], [1], [1], [0, 1, 1, 1], [], []>, precision = #tpu.contract_precision<fp32>, transpose_lhs_hint = false} : vector<64x1xf32>, vector<64x64xf32>, vector<1x64xf32> -> vector<1x64xf32>
    %concatenate3A_294 = tpu.concatenate %dot_general3A_291, %dot_general3A_293, %get3A_9 in 0 : vector<4x64xf32>, vector<1x64xf32>, vector<3x64xf32> -> vector<8x64xf32>
    %dot_general3A_295 = arith.constant dense<0.000000e+00> : vector<8x2048xf32>
    %dot_general3A_296 = tpu.matmul %concatenate3A_294, %convert_element_type3A_252, %dot_general3A_295 {dimension_numbers = #tpu.dot_dimension_numbers<[1], [0], [0], [1], [0, 0, 1, 1], [], []>, precision = #tpu.contract_precision<fp32>, transpose_lhs_hint = false} : vector<8x64xf32>, vector<64x2048xf32>, vector<8x2048xf32> -> vector<8x2048xf32>
    %slice3A_297 = vector.extract_strided_slice %dot_general3A_296 {offsets = [0, 0], sizes = [3, 2048], strides = [1, 1]} : vector<8x2048xf32> to vector<3x2048xf32>
    %slice3A_298 = vector.extract_strided_slice %dot_general3A_296 {offsets = [3, 0], sizes = [1, 2048], strides = [1, 1]} : vector<8x2048xf32> to vector<1x2048xf32>
    %slice3A_299 = vector.extract_strided_slice %dot_general3A_296 {offsets = [4, 0], sizes = [1, 2048], strides = [1, 1]} : vector<8x2048xf32> to vector<1x2048xf32>
    %slice3A_300 = vector.extract_strided_slice %dot_general3A_296 {offsets = [5, 0], sizes = [3, 2048], strides = [1, 1]} : vector<8x2048xf32> to vector<3x2048xf32>
    %lt3A_301 = arith.cmpf olt, %convert_element_type3A_284, %slice3A_299 : vector<1x2048xf32>
    %gt3A = arith.constant 0.000000e+00 : f32
    %gt3A_302 = vector.broadcast %gt3A : f32 to vector<1x2048xf32>
    %gt3A_303 = arith.cmpf ogt, %slice3A_299, %gt3A_302 : vector<1x2048xf32>
    %slice3A_304 = vector.extract_strided_slice %cond3A_223#0 {offsets = [3, 0], sizes = [1, 2048], strides = [1, 1]} : vector<4x2048xf32> to vector<1x2048xf32>
    %jit3A_305 = arith.constant 8.191000e+03 : f32
    %broadcast_in_dim3A_306 = vector.broadcast %jit3A_305 : f32 to vector<1x2048xf32>
    %select_n3A_307 = arith.select %gt3A_303, %slice3A_298, %broadcast_in_dim3A_306 : vector<1x2048xi1>, vector<1x2048xf32>
    %select_n3A_308 = arith.select %lt3A_301, %slice3A_304, %select_n3A_307 : vector<1x2048xi1>, vector<1x2048xf32>
    %convert_element_type3A_309 = arith.fptosi %select_n3A_308 : vector<1x2048xf32> to vector<1x2048xi32>
    %mul3A_310 = arith.constant 8192 : i32
    %mul3A_311 = arith.muli %arg0, %mul3A_310 : i32
    %add3A_312 = vector.broadcast %mul3A_311 : i32 to vector<1x2048xi32>
    %add3A_313 = arith.addi %convert_element_type3A_309, %add3A_312 : vector<1x2048xi32>
    %swap3A = arith.constant 0 : index
    %swap3A_314 = arith.constant 0 : index
    %swap3A_315 = arith.constant 0 : index
    %swap3A_316 = arith.constant 0 : index
    %swap3A_317 = vector.load %arg5[%swap3A, %swap3A_314, %swap3A_315, %swap3A_316] : memref<1x1x1x2048xi32, #tpu.memory_space<vmem>>, vector<1x1x1x2048xi32>
    %swap3A_318 = vector.shape_cast %swap3A_317 : vector<1x1x1x2048xi32> to vector<1x2048xi32>
    %swap3A_319 = vector.shape_cast %add3A_313 : vector<1x2048xi32> to vector<1x1x1x2048xi32>
    tpu.vector_store %arg5[%swap3A, %swap3A_314, %swap3A_315, %swap3A_316], %swap3A_319 {strides = array<i32>} : memref<1x1x1x2048xi32, #tpu.memory_space<vmem>>, vector<1x1x1x2048xi32>,
    %slice3A_320 = vector.extract_strided_slice %cond3A_223#0 {offsets = [0, 0], sizes = [3, 2048], strides = [1, 1]} : vector<4x2048xf32> to vector<3x2048xf32>
    %slice3A_321 = vector.extract_strided_slice %get3A_3 {offsets = [0, 8191], sizes = [3, 1], strides = [1, 1]} : vector<3x8192xf32> to vector<3x1xf32>
    %broadcast_in_dim3A_322 = vector.shape_cast %slice3A_321 : vector<3x1xf32> to vector<3x1xf32>
    %broadcast_in_dim3A_323 = vector.broadcast %broadcast_in_dim3A_322 : vector<3x1xf32> to vector<3x2048xf32>
    %broadcast_in_dim3A_324 = vector.shape_cast %gt3A_303 : vector<1x2048xi1> to vector<1x2048xi1>
    %broadcast_in_dim3A_325 = vector.broadcast %broadcast_in_dim3A_324 : vector<1x2048xi1> to vector<3x2048xi1>
    %select_n3A_326 = arith.select %broadcast_in_dim3A_325, %slice3A_297, %broadcast_in_dim3A_323 : vector<3x2048xi1>, vector<3x2048xf32>
    %broadcast_in_dim3A_327 = vector.shape_cast %lt3A_301 : vector<1x2048xi1> to vector<1x2048xi1>
    %broadcast_in_dim3A_328 = vector.broadcast %broadcast_in_dim3A_327 : vector<1x2048xi1> to vector<3x2048xi1>
    %select_n3A_329 = arith.select %broadcast_in_dim3A_328, %slice3A_320, %select_n3A_326 : vector<3x2048xi1>, vector<3x2048xf32>
    %sub3A_330 = arith.subf %select_n3A_329, %slice3A_300 : vector<3x2048xf32>
    %swap3A_331 = arith.constant 0 : index
    %swap3A_332 = arith.constant 0 : index
    %swap3A_333 = arith.constant 0 : index
    %swap3A_334 = arith.constant 0 : index
    %swap3A_335 = vector.load %arg4[%swap3A_331, %swap3A_332, %swap3A_333, %swap3A_334] : memref<1x1x3x2048xf32, #tpu.memory_space<vmem>>, vector<1x1x3x2048xf32>
    %swap3A_336 = vector.shape_cast %swap3A_335 : vector<1x1x3x2048xf32> to vector<3x2048xf32>
    %swap3A_337 = vector.shape_cast %sub3A_330 : vector<3x2048xf32> to vector<1x1x3x2048xf32>
    tpu.vector_store %arg4[%swap3A_331, %swap3A_332, %swap3A_333, %swap3A_334], %swap3A_337 {strides = array<i32>} : memref<1x1x3x2048xf32, #tpu.memory_space<vmem>>, vector<1x1x3x2048xf32>,
    return
  }
  func.func @transform_0(%arg0: i32, %arg1: i32) -> (i32, i32, i32) {
    %c0_i32 = arith.constant 0 : i32
    %c0_i32_0 = arith.constant 0 : i32
    %c0_i32_1 = arith.constant 0 : i32
    return %arg0, %c0_i32, %c0_i32_0 : i32, i32, i32
  }
  func.func @transform_1(%arg0: i32, %arg1: i32) -> (i32, i32, i32, i32) {
    %c0_i32 = arith.constant 0 : i32
    %c0_i32_0 = arith.constant 0 : i32
    %c0_i32_1 = arith.constant 0 : i32
    return %arg0, %arg1, %c0_i32, %c0_i32_0 : i32, i32, i32, i32
  }
  func.func @transform_2(%arg0: i32, %arg1: i32) -> (i32, i32, i32, i32) {
    %c0_i32 = arith.constant 0 : i32
    %c0_i32_0 = arith.constant 0 : i32
    %c0_i32_1 = arith.constant 0 : i32
    return %arg0, %arg1, %c0_i32, %c0_i32_0 : i32, i32, i32, i32
  }
  func.func @transform_3(%arg0: i32, %arg1: i32) -> (i32, i32, i32, i32) {
    %c0_i32 = arith.constant 0 : i32
    %c0_i32_0 = arith.constant 0 : i32
    %c0_i32_1 = arith.constant 0 : i32
    return %arg0, %arg1, %c0_i32, %c0_i32_0 : i32, i32, i32, i32
  }
}

</mosaic_0001>

<sc_bundles>
// kernel: kernel.4.cloned.1.call-start
scs
__scs_entry_jumppad:
0x0: {  	(pc) =	sbr.rel $0x88, $3  }
0x1: {  	(tag) =	ssettag $0x0;
	lr =	simm.s32 $0x1  }
0x2: {  	[smem:$0x3F9E] =	sst lr;
	_ =	strace $0xD0000000  }
0x3: {  	_ = 	snop  }
0x4: {  	_ = 	snop  }
0x5: {  	_ = 	snop  }
0x6: {  	_ = 	snop  }
0x7: {  	_ = 	snop  }
__scs_overlays_trampoline_lowered:
0x8: {  	[smem:$0x3FAD] =	sst s0  }
0x9: {  	[smem:$0x3FAE] =	sst s1  }
0xa: {  	[smem:$0x3FAF] =	sst s2  }
0xb: {  	[smem:$0x3FB0] =	sst s3  }
0xc: {  	[smem:$0x3FB1] =	sst s4  }
0xd: {  	[smem:$0x3FB2] =	sst s5  }
0xe: {  	[smem:$0x3FB3] =	sst s6  }
0xf: {  	[smem:$0x3FB4] =	sst s7  }
0x10: {  	[smem:$0x3FB5] =	sst s8  }
0x11: {  	[smem:$0x3FB6] =	sst s9;
	s0 =	simm.s32 @!p0 $0x0  }
0x12: {  	s1 =	sld [smem:$0x3F9C];
	s0 =	simm.s32 @p0 $0x1  }
0x13: {  	[smem:$0x3FB7] =	sst s0;
	s0 =	simm.s32 @!p1 $0x0  }
0x14: {  	s2 =	sld [smem:$0x3F9B];
	s0 =	simm.s32 @p1 $0x1  }
0x15: {  	[smem:$0x3FB8] =	sst s0;
	s0 =	simm.s32 @!p2 $0x0  }
0x16: {  	s3 =	sld [smem:$0x3FDB];
	s0 =	simm.s32 @p2 $0x1  }
0x17: {  	s4 =	simm.s32 $0x1BF5;
	[smem:$0x3FBA] =	sst s0  }
0x18: {  	s0 =	sld [smem:$0x3F9D];
	_ =	swait.ge [sflag:s4], $0x0  }
0x19: {  	s7 =	sld [smem:$0x3F9E]  }
0x1a: {  	s8 =	sadd.s32 $0xFFFFE003, lr  }
0x1b: {  	s9 =	sadd.s32 $0xFFFFFEF7, lr;
	s5 =	simm.s32 $0xFFFFFFFF;
	p2 =	slt.u32 s8, $0xFFFFF086  }
0x1c: {  	p1 =	slt.u32 s9, $0xF7A;
	s5 =	simm.s32 @!p2 $0x0  }
0x1d: {  	s5 =	simm.s32 @p1 $0x1;
	p0 =	seq.s32 s7, s2  }
0x1e: {  	s7 =	smul.u32 @!p0 $0xF7A, s2;
	p2 =	seq.s32 @!p0 s5, $0x0  }
0x1f: {  	s9 =	smul.u32 $0xF7A, s1;
	s8 =	simm.s32 @!p0 $0x1BF5;
	p2 =	por !p2, p0  }
0x20: {  	[sflag:s8] =	ssyncset.s32 @!p0 $0xFFFFF086;
	s6 =	sadd.s32 @!p0 s3, s7;
	s7 =	simm.s32 @!p0 $0x108  }
0x21: {  	s3 =	sadd.s32 s3, s9;
	s6 =	sadd.s32 @!p0 $0x88, s6;
	s7 =	simm.s32 @p2 $0x1082  }
0x22: {  	[simem:s7], [sflag:s8] =	dma.local @!p0 [hbm:s6], $0xF7A  }
0x23: {  	s9 =	sor.u32 $0xD0000000, s2;
	s6 =	simm.s32 $0x108;
	_ =	swait.ge @!p0 [sflag:s8], $0x0  }
0x24: {  	s3 =	sadd.s32 $0x88, s3;
	s6 =	simm.s32 @!p1 $0x1082;
	[sflag:s4] =	ssyncset.s32 $0xFFFFF086  }
0x25: {  	[simem:s6], [sflag:s4] =	dma.local [hbm:s3], $0xF7A  }
0x26: {  	[smem:$0x3F9E] =	sst s1;
	(tag) =	ssettag s2;
	_ =	strace s9  }
0x27: {  	s1 =	sld [smem:$0x3FAE]  }
0x28: {  	s2 =	sld [smem:$0x3FAF]  }
0x29: {  	s4 =	sld [smem:$0x3FB1]  }
0x2a: {  	p0 =	seq.s32 s5, $0x0;
	s5 =	sld [smem:$0x3FB2]  }
0x2b: {  	s6 =	sld [smem:$0x3FB3]  }
0x2c: {  	s7 =	sld [smem:$0x3FB4]  }
0x2d: {  	s3 =	simm.s32 $0x108;
	s8 =	sld [smem:$0x3FB5]  }
0x2e: {  	s3 =	simm.s32 @!p0 $0x1082;
	s9 =	sld [smem:$0x3FB6]  }
0x2f: {  	lr =	sadd.s32 s0, s3;
	s0 =	sld [smem:$0x3FAD]  }
0x30: {  	s3 =	sld [smem:$0x3FB0]  }
0x31: {  	[smem:$0x3FB9] =	sst s10  }
0x32: {  	s10 =	sld [smem:$0x3FB7];
	_ =	sdelay $0x3  }
0x33: {  	p0 =	seq.s32 s10, $0x1;
	s10 =	sld [smem:$0x3FB9];
	_ =	sdelay $0x3  }
0x34: {  	[smem:$0x3FB9] =	sst s10  }
0x35: {  	s10 =	sld [smem:$0x3FB8];
	_ =	sdelay $0x3  }
0x36: {  	p1 =	seq.s32 s10, $0x1;
	s10 =	sld [smem:$0x3FB9];
	_ =	sdelay $0x3  }
0x37: {  	[smem:$0x3FB9] =	sst s10  }
0x38: {  	s10 =	sld [smem:$0x3FBA]  }
0x39: {  	_ = 	snop;
	(pc) =	sbr.ind lr, $3  }
0x3a: {  	_ = 	snop  }
0x3b: {  	_ = 	snop  }
0x3c: {  	p2 =	seq.s32 s10, $0x1;
	s10 =	sld [smem:$0x3FB9]  }
0x3d: {  	_ =	shalt  }
0x3e: {  	_ =	shalt  }
0x3f: {  	_ =	shalt  }
0x40: {  	_ =	shalt  }
0x41: {  	_ =	shalt  }
0x42: {  	_ =	shalt  }
0x43: {  	_ =	shalt  }
0x44: {  	_ =	shalt  }
0x45: {  	_ =	shalt  }
0x46: {  	_ =	shalt  }
0x47: {  	_ =	shalt  }
0x48: {  	_ =	shalt  }
0x49: {  	_ =	shalt  }
0x4a: {  	_ =	shalt  }
0x4b: {  	_ =	shalt  }
0x4c: {  	_ =	shalt  }
0x4d: {  	_ =	shalt  }
0x4e: {  	_ =	shalt  }
0x4f: {  	_ =	shalt  }
0x50: {  	_ =	shalt  }
0x51: {  	_ =	shalt  }
0x52: {  	_ =	shalt  }
0x53: {  	_ =	shalt  }
0x54: {  	_ =	shalt  }
0x55: {  	_ =	shalt  }
0x56: {  	_ =	shalt  }
0x57: {  	_ =	shalt  }
0x58: {  	_ =	shalt  }
0x59: {  	_ =	shalt  }
0x5a: {  	_ =	shalt  }
0x5b: {  	_ =	shalt  }
0x5c: {  	_ =	shalt  }
0x5d: {  	_ =	shalt  }
0x5e: {  	_ =	shalt  }
0x5f: {  	_ =	shalt  }
0x60: {  	_ =	shalt  }
0x61: {  	_ =	shalt  }
0x62: {  	_ =	shalt  }
0x63: {  	_ =	shalt  }
0x64: {  	_ =	shalt  }
0x65: {  	_ =	shalt  }
0x66: {  	_ =	shalt  }
0x67: {  	_ =	shalt  }
0x68: {  	_ =	shalt  }
0x69: {  	_ =	shalt  }
0x6a: {  	_ =	shalt  }
0x6b: {  	_ =	shalt  }
0x6c: {  	_ =	shalt  }
0x6d: {  	_ =	shalt  }
0x6e: {  	_ =	shalt  }
0x6f: {  	_ =	shalt  }
0x70: {  	_ =	shalt  }
0x71: {  	_ =	shalt  }
0x72: {  	_ =	shalt  }
0x73: {  	_ =	shalt  }
0x74: {  	_ =	shalt  }
0x75: {  	_ =	shalt  }
0x76: {  	_ =	shalt  }
0x77: {  	_ =	shalt  }
0x78: {  	_ =	shalt  }
0x79: {  	_ =	shalt  }
0x7a: {  	_ =	shalt  }
0x7b: {  	_ =	shalt  }
0x7c: {  	_ =	shalt  }
0x7d: {  	_ =	shalt  }
0x7e: {  	_ =	shalt  }
0x7f: {  	_ =	shalt  }
0x80: {  	_ =	shalt  }
0x81: {  	_ =	shalt  }
0x82: {  	_ =	shalt  }
0x83: {  	_ =	shalt  }
0x84: {  	_ =	shalt  }
0x85: {  	_ =	shalt  }
0x86: {  	_ =	shalt  }
0x87: {  	_ =	shalt  }
.Lfunc_end0:
.L_simem_size_0:
called_computation.2_lowered:
.L_overlay_start_0:
0x88: {  	s2 =	sld [smem:$0x3FD9]  }
0x89: {  	s3 =	sld [smem:$0x3FFE];
	_ =	sdelay $0x1  }
0x8a: {  	s1 =	srdreg.scid  }
0x8b: {  	s0 =	sand.u32 $0x1, s1  }
0x8c: {  	s17 =	sshll.u32 s0, $0xA;
	s2 =	sadd.s32 s3, s2  }
0x8d: {  	s2 =	sadd.s32 s2, s17  }
0x8e: {  	[smem:$0x3FC5] =	sst s2  }
0x8f: {  	_ = 	snop  }
0x90: {  	s2 =	sld [smem:$0x3FD0];
	(tm) =	ssettm $0x1  }
0x91: {  	s18 =	sld [smem:$0x3FFB];
	_ =	sdelay $0x3  }
0x92: {  	_ =	strace s18  }
0x93: {  	s3 =	sld [smem:$0x3FFC];
	_ =	sdelay $0x3  }
0x94: {  	_ =	strace s3  }
0x95: {  	s3 =	sld [smem:$0x3FFD];
	_ =	sdelay $0x3  }
0x96: {  	_ =	strace s3  }
0x97: {  	_ =	strace $0x8FFFFFFF  }
0x98: {  	s19 =	sld [smem:$0x3FDB];
	_ =	sdelay $0x1  }
0x99: {  	s4 =	simm.s32 $_scs_section_size  }
0x9a: {  	s5 =	simm.s32 $_size__tile_overlayer_lowered;
	s6 =	simm.s32 $_tile_overlayer_lowered  }
0x9b: {  	s22 =	simm.s32 $0x1BFF;
	s21 =	sshll.u32 s6, $0x1;
	s3 =	sadd.s32 s4, s19  }
0x9c: {  	s7 =	simm.s32 $0x0;
	s20 =	sshll.u32 s5, $0x1;
	s5 =	sadd.s32 s21, s3  }
0x9d: {  	[timem:s7], [sflag:s22] =	dma.local [hbm:s5], s20  }
0x9e: {  	_ =	swait.ge [sflag:s22], s20  }
0x9f: {  	s4 =	ssub.s32 $0x0, s20;
	[sflag:s22] =	ssyncset.done $0x0  }
0xa0: {  	[sflag:s22] =	ssyncadd.s32 s4;
	_ =	sdelay $0x1  }
0xa1: {  	s23 =	simm.s32 $0x1B8B  }
0xa2: {  	_ =	swait.ge [sflag:s23], $0x1  }
0xa3: {  	[sflag:s23] =	ssyncset.done $0x0  }
0xa4: {  	s25 =	simm.s32 $0x1B8E;
	s24 =	sld [smem:$0x3FFE];
	[sflag:s23] =	ssyncadd.s32 $0xFFFFFFFF  }
0xa5: {  	s26 =	simm.s32 $execute0_lowered;
	[smem:$0x3FD2] =	sst s25  }
0xa6: {  	s5 =	sshll.u32 s26, $0x1;
	_ =	strace $0x80000049;
	[dreg:$0x1] =	wrdreg $0xFFFFFFFF  }
0xa7: {  	s28 =	simm.s32 $_size_execute0_lowered;
	s3 =	sadd.s32 s3, s5;
	[dreg:$0x0] =	wrdreg $0x0  }
0xa8: {  	s5 =	sshll.u32 s28, $0x1;
	[dreg:$0x2] =	wrdreg s3  }
0xa9: {  	[dreg:$0x3] =	wrdreg s5  }
0xaa: {  	[dreg:$0x4] =	wrdreg $0xC0  }
0xab: {  	_ =	task [dreg:s7], $0x5FFFF  }
0xac: {  	[dreg:$0x1] =	wrdreg $0xFFFFFFFF  }
0xad: {  	[dreg:$0x0] =	wrdreg $0x60  }
0xae: {  	[dreg:$0x2] =	wrdreg s24  }
0xaf: {  	[dreg:$0x3] =	wrdreg s2  }
0xb0: {  	[dreg:$0x4] =	wrdreg $0x9  }
0xb1: {  	_ =	task.clear_ibuf [dreg:s7], $0x5FFFF;
	_ =	strace $0x90000049  }
0xb2: {  	s29 =	simm.s32 $0x9;
	_ =	strace $0x8000004B  }
0xb3: {  	_ =	swait.ge [sflag:s29], $0x1  }
0xb4: {  	[sflag:s29] =	ssyncadd.s32 $0xFFFFFFFF  }
0xb5: {  	_ =	strace $0x9000004B  }
0xb6: {  	_ =	sfence  }
0xb7: {  	s30 =	sld [smem:$0x0];
	_ =	sdelay $0x2  }
0xb8: {  	s31 =	sshll.u32 s1, $0xD;
	s1 =	sshrl.u32 s1, $0x2  }
0xb9: {  	s3 =	sand.u32 $0x4000, s31;
	s1 =	sadd.s32 s1, s30  }
0xba: {  	s0 =	sor.u32 s3, s0;
	s1 =	sshll.u32 s1, $0x11  }
0xbb: {  	s0 =	sor.u32 s1, s0  }
0xbc: {  	s0 =	sadd.s32 $0x8F2B, s0  }
0xbd: {  	[sflag:s0] =	ssyncadd.remote.s32 $0x1  }
0xbe: {  	_ =	sfence.sel $0xFFFF  }
0xbf: {  	[dreg:$0x0] =	wrdreg $0xFFFFFFFF;
	(pc) =	sbr.abs _section_cstart, $3  }
0xc0: {  	[dreg:$0x1] =	wrdreg $0xFFFFFFFF  }
0xc1: {  	_ =	task.clear_ibuf [dreg:s7], $0x2FFFF;
	_ =	strace $0x9FFFFFFF  }
0xc2: {  	(tm) =	ssettm $0x7FFFFFFF  }
0xc3: {  	_ =	shalt  }
tec
execute0_lowered:
.L_overlay_start_1:
0x0: {  	(tag) =	ssettag $0x1  }
0x1: {  	s4 =	rddreg [dreg:$0x0]  }
0x2: {  	s5 =	rddreg [dreg:$0x1]  }
0x3: {  	s0 =	rddreg [dreg:$0x2];
	s3 =	srdreg.scid  }
0x4: {  	s2 =	simm.s32 $0x0;
	s1 =	stileid.u32;
	s10 =	simm.s32 $0x1080  }
0x5: {  	s11 =	simm.s32 $0x1880;
	s12 =	simm.s32 $0x2080;
	s13 =	simm.s32 $0x2880  }
0x6: {  	s14 =	simm.s32 $0x3080;
	s15 =	simm.s32 $0x3880;
	s16 =	simm.s32 $0x4080  }
0x7: {  	s17 =	simm.s32 $0x4880;
	s18 =	simm.s32 $0x5080;
	s19 =	simm.s32 $0x5880  }
0x8: {  	s20 =	simm.s32 $0x6080;
	s21 =	simm.s32 $0x6880;
	s22 =	simm.s32 $0x7080  }
0x9: {  	s23 =	simm.s32 $0x7880;
	s24 =	simm.s32 $0x1;
	s25 =	simm.s32 $0x0  }
0xa: {  	s6 =	sand.u32 $0x1, s3;
	[smem:$0x7FF] =	sst s2;
	s29 =	sshll.u32 s1, $0xD  }
0xb: {  	s3 =	sadd.s32 $0x1800, s4;
	s31 =	sshll.u32 s1, $0x12;
	s7 =	sshll.u32 s6, $0xC  }
0xc: {  	_ =	strace $0x8000004A;
	s8 =	ssub.s32 $0x2, s6;
	s5 =	sadd.s32 s31, s5  }
0xd: {  	s6 =	sshll.u32 s6, $0x11;
	s7 =	sor.u32 s7, s29;
	s9 =	sshrl.u32 s8, $0x1  }
0xe: {  	v2 =	vlaneseq.u32;
	s5 =	sadd.s32 s6, s5;
	s7 =	sshrl.u32 s7, $0x3;
	s30 =	ssub.s32 s8, s9  }
0xf: {  	vm0 =	vmmov $0xffff;
	v1 =	vshrl.u32 v2, $0x3;
	s8 =	simm.s32 $0x80;
	s9 =	simm.s32 $0x880;
	s7 =	sadd.s32 s7, s4  }
0x10: {  	v0 =	vand.u32 $0x7, v2;
	v2 =	vor.u32 $0x8, v2;
	v1 =	vmul.u32 $0x8, v1;
	s4 =	smax.u32 s30, $0x1;
	s6 =	sadd.s32 $0x101800, s7;
	s7 =	simm.s32 $0x2  }
.LBB2_1:
0x11: {  	s26 =	smov.u32 s5;
	s28 =	simm.s32 $0x0  }
.LBB2_2:
0x12: {  	s29 =	sadd.s32 s28, s6  }
0x13: {  	[tilespmem:s2], [sflag:$0x2] =	stream.linear.gather [hbm4b:s29+s2], $0x80, $0x38;
	[tilespmem:$0x8080] =	vst v63  }
0x14: {  	_ =	swait.ge [sflag:s7], $0x80  }
0x15: {  	[sflag:s7] =	ssyncset.done $0x0  }
0x16: {  	[sflag:s7] =	ssyncadd.s32 $0xFFFFFF80  }
0x17: {  	v3 =	vld [tilespmem:$0x0];
	_ =	sdelay $0x4  }
0x18: {  	v4 =	vshll.u32 v3, $0x1  }
0x19: {  	v3 =	vand.u32 $0x7, v3;
	v4 =	vand.u32 $0xFFFFFFF0, v4  }
0x1a: {  	v3 =	vor.u32 v3, v4  }
0x1b: {  	v4 =	vperm.xlane v3, v0;
	_ =	sdelay $0x1  }
0x1c: {  	v3 =	vperm.xlane v3, v2;
	v4 =	vadd.s32 v1, v4;
	_ =	sdelay $0x1  }
0x1d: {  	v3 =	vadd.s32 v1, v3;
	_ =	sdelay $0x2  }
0x1e: {  	[tilespmem:s8], [sflag:$0x1] =	stream.indirect_vreg.gather [hbm4b:s3+s2], $0x80, v4, vm0, $0xb8;
	[tilespmem:$0x8080] =	vst v63  }
0x1f: {  	_ = 	snop  }
0x20: {  	[tilespmem:s9], [sflag:$0x1] =	stream.indirect_vreg.gather [hbm4b:s3+s2], $0x80, v3, vm0, $0xb8;
	[tilespmem:$0x8080] =	vst v63  }
0x21: {  	v3 =	vld [tilespmem:$0x10];
	_ =	sdelay $0x4  }
0x22: {  	v57 =	vshll.u32 v3, $0x1  }
0x23: {  	v3 =	vand.u32 $0x7, v3;
	v4 =	vand.u32 $0xFFFFFFF0, v57  }
0x24: {  	v3 =	vor.u32 v3, v4  }
0x25: {  	v4 =	vperm.xlane v3, v0;
	_ =	sdelay $0x1  }
0x26: {  	v3 =	vperm.xlane v3, v2;
	v4 =	vadd.s32 v1, v4;
	_ =	sdelay $0x1  }
0x27: {  	v3 =	vadd.s32 v1, v3;
	_ =	sdelay $0x2  }
0x28: {  	[tilespmem:s10], [sflag:$0x1] =	stream.indirect_vreg.gather [hbm4b:s3+s2], $0x80, v4, vm0, $0xb8;
	[tilespmem:$0x8080] =	vst v63  }
0x29: {  	_ = 	snop  }
0x2a: {  	[tilespmem:s11], [sflag:$0x1] =	stream.indirect_vreg.gather [hbm4b:s3+s2], $0x80, v3, vm0, $0xb8;
	[tilespmem:$0x8080] =	vst v63  }
0x2b: {  	v3 =	vld [tilespmem:$0x20];
	_ =	sdelay $0x4  }
0x2c: {  	v58 =	vshll.u32 v3, $0x1  }
0x2d: {  	v3 =	vand.u32 $0x7, v3;
	v4 =	vand.u32 $0xFFFFFFF0, v58  }
0x2e: {  	v3 =	vor.u32 v3, v4  }
0x2f: {  	v4 =	vperm.xlane v3, v0;
	_ =	sdelay $0x1  }
0x30: {  	v3 =	vperm.xlane v3, v2;
	v4 =	vadd.s32 v1, v4;
	_ =	sdelay $0x1  }
0x31: {  	v3 =	vadd.s32 v1, v3;
	_ =	sdelay $0x2  }
0x32: {  	[tilespmem:s12], [sflag:$0x1] =	stream.indirect_vreg.gather [hbm4b:s3+s2], $0x80, v4, vm0, $0xb8;
	[tilespmem:$0x8080] =	vst v63  }
0x33: {  	_ = 	snop  }
0x34: {  	[tilespmem:s13], [sflag:$0x1] =	stream.indirect_vreg.gather [hbm4b:s3+s2], $0x80, v3, vm0, $0xb8;
	[tilespmem:$0x8080] =	vst v63  }
0x35: {  	v3 =	vld [tilespmem:$0x30];
	_ =	sdelay $0x4  }
0x36: {  	v59 =	vshll.u32 v3, $0x1  }
0x37: {  	v3 =	vand.u32 $0x7, v3;
	v4 =	vand.u32 $0xFFFFFFF0, v59  }
0x38: {  	v3 =	vor.u32 v3, v4  }
0x39: {  	v4 =	vperm.xlane v3, v0;
	_ =	sdelay $0x1  }
0x3a: {  	v3 =	vperm.xlane v3, v2;
	v4 =	vadd.s32 v1, v4;
	_ =	sdelay $0x1  }
0x3b: {  	v3 =	vadd.s32 v1, v3;
	_ =	sdelay $0x2  }
0x3c: {  	[tilespmem:s14], [sflag:$0x1] =	stream.indirect_vreg.gather [hbm4b:s3+s2], $0x80, v4, vm0, $0xb8;
	[tilespmem:$0x8080] =	vst v63  }
0x3d: {  	_ = 	snop  }
0x3e: {  	[tilespmem:s15], [sflag:$0x1] =	stream.indirect_vreg.gather [hbm4b:s3+s2], $0x80, v3, vm0, $0xb8;
	[tilespmem:$0x8080] =	vst v63  }
0x3f: {  	v3 =	vld [tilespmem:$0x40];
	_ =	sdelay $0x4  }
0x40: {  	v60 =	vshll.u32 v3, $0x1  }
0x41: {  	v3 =	vand.u32 $0x7, v3;
	v4 =	vand.u32 $0xFFFFFFF0, v60  }
0x42: {  	v3 =	vor.u32 v3, v4  }
0x43: {  	v4 =	vperm.xlane v3, v0;
	_ =	sdelay $0x1  }
0x44: {  	v3 =	vperm.xlane v3, v2;
	v4 =	vadd.s32 v1, v4;
	_ =	sdelay $0x1  }
0x45: {  	v3 =	vadd.s32 v1, v3;
	_ =	sdelay $0x2  }
0x46: {  	[tilespmem:s16], [sflag:$0x1] =	stream.indirect_vreg.gather [hbm4b:s3+s2], $0x80, v4, vm0, $0xb8;
	[tilespmem:$0x8080] =	vst v63  }
0x47: {  	_ = 	snop  }
0x48: {  	[tilespmem:s17], [sflag:$0x1] =	stream.indirect_vreg.gather [hbm4b:s3+s2], $0x80, v3, vm0, $0xb8;
	[tilespmem:$0x8080] =	vst v63  }
0x49: {  	v3 =	vld [tilespmem:$0x50];
	_ =	sdelay $0x4  }
0x4a: {  	v61 =	vshll.u32 v3, $0x1  }
0x4b: {  	v3 =	vand.u32 $0x7, v3;
	v4 =	vand.u32 $0xFFFFFFF0, v61  }
0x4c: {  	v3 =	vor.u32 v3, v4  }
0x4d: {  	v4 =	vperm.xlane v3, v0;
	_ =	sdelay $0x1  }
0x4e: {  	v3 =	vperm.xlane v3, v2;
	v4 =	vadd.s32 v1, v4;
	_ =	sdelay $0x1  }
0x4f: {  	v3 =	vadd.s32 v1, v3;
	_ =	sdelay $0x2  }
0x50: {  	[tilespmem:s18], [sflag:$0x1] =	stream.indirect_vreg.gather [hbm4b:s3+s2], $0x80, v4, vm0, $0xb8;
	[tilespmem:$0x8080] =	vst v63  }
0x51: {  	_ = 	snop  }
0x52: {  	[tilespmem:s19], [sflag:$0x1] =	stream.indirect_vreg.gather [hbm4b:s3+s2], $0x80, v3, vm0, $0xb8;
	[tilespmem:$0x8080] =	vst v63  }
0x53: {  	v3 =	vld [tilespmem:$0x60];
	_ =	sdelay $0x4  }
0x54: {  	v62 =	vshll.u32 v3, $0x1  }
0x55: {  	v3 =	vand.u32 $0x7, v3;
	v4 =	vand.u32 $0xFFFFFFF0, v62  }
0x56: {  	v3 =	vor.u32 v3, v4  }
0x57: {  	v4 =	vperm.xlane v3, v0;
	_ =	sdelay $0x1  }
0x58: {  	v3 =	vperm.xlane v3, v2;
	v4 =	vadd.s32 v1, v4;
	_ =	sdelay $0x1  }
0x59: {  	v3 =	vadd.s32 v1, v3;
	_ =	sdelay $0x2  }
0x5a: {  	[tilespmem:s20], [sflag:$0x1] =	stream.indirect_vreg.gather [hbm4b:s3+s2], $0x80, v4, vm0, $0xb8;
	[tilespmem:$0x8080] =	vst v63  }
0x5b: {  	_ = 	snop  }
0x5c: {  	[tilespmem:s21], [sflag:$0x1] =	stream.indirect_vreg.gather [hbm4b:s3+s2], $0x80, v3, vm0, $0xb8;
	[tilespmem:$0x8080] =	vst v63  }
0x5d: {  	v3 =	vld [tilespmem:$0x70];
	_ =	sdelay $0x4  }
0x5e: {  	v63 =	vshll.u32 v3, $0x1  }
0x5f: {  	v3 =	vand.u32 $0x7, v3;
	v4 =	vand.u32 $0xFFFFFFF0, v63  }
0x60: {  	v3 =	vor.u32 v3, v4  }
0x61: {  	v4 =	vperm.xlane v3, v0;
	_ =	sdelay $0x1  }
0x62: {  	v3 =	vperm.xlane v3, v2;
	v4 =	vadd.s32 v1, v4;
	_ =	sdelay $0x1  }
0x63: {  	v3 =	vadd.s32 v1, v3;
	_ =	sdelay $0x2  }
0x64: {  	[tilespmem:s22], [sflag:$0x1] =	stream.indirect_vreg.gather [hbm4b:s3+s2], $0x80, v4, vm0, $0xb8;
	[tilespmem:$0x8080] =	vst v63  }
0x65: {  	_ = 	snop  }
0x66: {  	[tilespmem:s23], [sflag:$0x1] =	stream.indirect_vreg.gather [hbm4b:s3+s2], $0x80, v3, vm0, $0xb8;
	[tilespmem:$0x8080] =	vst v63  }
0x67: {  	_ =	swait.ge [sflag:s24], $0x8000  }
0x68: {  	p0 =	sne.s32 s28, $0x1F0;
	[sflag:s24] =	ssyncset.done $0x0  }
.Ltmp0:
0x69: {  	[sflag:s24] =	ssyncadd.s32 $0xFFFF8000;
	(pc) =	sbr.rel @p0 .LBB2_2-.Ltmp0, $4  }
0x6a: {  	[hbm4b:s26+s2] =	stream.linear.scatter [tilespmem:s8], [sflag:$0x2], $0x8000, $0x38;
	[tilespmem:$0x8080] =	vst v63  }
0x6b: {  	_ =	swait.ge [sflag:s7], $0x8000  }
0x6c: {  	[sflag:s7] =	ssyncset.done $0x0  }
0x6d: {  	s28 =	sadd.s32 $0x10, s28;
	s26 =	sadd.s32 $0x1000, s26;
	[sflag:s7] =	ssyncadd.s32 $0xFFFF8000  }
0x6e: {  	s25 =	sadd.s32 $0x1, s25  }
0x6f: {  	p0 =	sne.s32 s25, s4  }
.Ltmp1:
0x70: {  	_ = 	snop;
	(pc) =	sbr.rel @p0 .LBB2_1-.Ltmp1, $1  }
0x71: {  	_ =	sdelay $0x3  }
0x72: {  	_ =	sfence.sel $0x180000  }
0x73: {  	[bflag:$0x0] =	sbarrier.arrive $0xFFFF  }
0x74: {  	p0 =	sne.s32 s1, $0x0;
	_ =	strace $0x9000004A  }
0x75: {  	s0 =	sadd.s32 @!p0 $0x100000, s0;
	[bflag:$0x2] =	sbarrier.arrive $0xFFFF  }
0x76: {  	[sflag:s0] =	ssyncadd.tile.s32 @!p0 $0x1;
	_ =	shalt  }
.Lfunc_end2:
_tile_overlayer_lowered:
.L_overlay_start_2:
0x77: {  	(tag) =	ssettag $0x2  }
0x78: {  	s0 =	rddreg [dreg:$0x0];
	s2 =	stileid.u32  }
0x79: {  	s1 =	rddreg [dreg:$0x1];
	p0 =	sne.s32 s2, $0x0  }
0x7a: {  	s3 =	rddreg [dreg:$0x2];
	[bflag:$0x3] =	sbarrier.arrive $0xFFFF;
	s2 =	simm.s32 @!p0 $0x1C02  }
0x7b: {  	[timem:s3], [sflag:s2] =	dma.local @!p0 [hbm:s0], s1  }
0x7c: {  	s0 =	simm.s32 @!p0 $0x2  }
0x7d: {  	_ =	swait.ge @!p0 [sflag:s0], s1  }
0x7e: {  	s1 =	ssub.s32 @!p0 $0x0, s1;
	[sflag:s0] =	ssyncset.done @!p0 $0x0  }
0x7f: {  	[sflag:s0] =	ssyncadd.s32 @!p0 s1  }
0x80: {  	[bflag:$0x3] =	sbarrier.arrive $0xFFFF  }
0x81: {  	_ =	shalt  }

// kernel: sparse-core-data-format-call.1.cloned.1.call-start
scs
called_computation.1_lowered:
.L_overlay_start_0:
0x0: {  	s2 =	sld [smem:$0x3FD9]  }
0x1: {  	s3 =	sld [smem:$0x3FFE];
	_ =	sdelay $0x1  }
0x2: {  	s1 =	srdreg.scid  }
0x3: {  	s0 =	sand.u32 $0x1, s1  }
0x4: {  	s18 =	sshll.u32 s0, $0xA;
	s2 =	sadd.s32 s3, s2  }
0x5: {  	s2 =	sadd.s32 s2, s18  }
0x6: {  	[smem:$0x3FC5] =	sst s2  }
0x7: {  	_ = 	snop  }
0x8: {  	s2 =	sld [smem:$0x3FC7];
	(tm) =	ssettm $0x1  }
0x9: {  	s19 =	sld [smem:$0x3FFB];
	_ =	sdelay $0x3  }
0xa: {  	_ =	strace s19  }
0xb: {  	s3 =	sld [smem:$0x3FFC];
	_ =	sdelay $0x3  }
0xc: {  	_ =	strace s3  }
0xd: {  	s3 =	sld [smem:$0x3FFD];
	_ =	sdelay $0x3  }
0xe: {  	_ =	strace s3  }
0xf: {  	_ =	strace $0x8FFFFFFF  }
0x10: {  	s20 =	sld [smem:$0x3FDB];
	_ =	sdelay $0x1  }
0x11: {  	s4 =	simm.s32 $_scs_section_size  }
0x12: {  	s5 =	simm.s32 $_size__tile_overlayer_lowered;
	s6 =	simm.s32 $_tile_overlayer_lowered  }
0x13: {  	s23 =	simm.s32 $0x1BFF;
	s22 =	sshll.u32 s6, $0x1;
	s3 =	sadd.s32 s4, s20  }
0x14: {  	s7 =	simm.s32 $0x0;
	s21 =	sshll.u32 s5, $0x1;
	s5 =	sadd.s32 s22, s3  }
0x15: {  	[timem:s7], [sflag:s23] =	dma.local [hbm:s5], s21  }
0x16: {  	_ =	swait.ge [sflag:s23], s21  }
0x17: {  	s4 =	ssub.s32 $0x0, s21;
	[sflag:s23] =	ssyncset.done $0x0  }
0x18: {  	[sflag:s23] =	ssyncadd.s32 s4;
	_ =	sdelay $0x1  }
0x19: {  	s24 =	simm.s32 $0x1B8B  }
0x1a: {  	_ =	swait.ge [sflag:s24], $0x1  }
0x1b: {  	[sflag:s24] =	ssyncset.done $0x0  }
0x1c: {  	s26 =	simm.s32 $0x1B8E;
	s25 =	sld [smem:$0x3FFE];
	[sflag:s24] =	ssyncadd.s32 $0xFFFFFFFF  }
0x1d: {  	s27 =	simm.s32 $execute0_lowered;
	[smem:$0x3FD2] =	sst s26  }
0x1e: {  	s5 =	sshll.u32 s27, $0x1;
	_ =	strace $0x80000046;
	[dreg:$0x1] =	wrdreg $0xFFFFFFFF  }
0x1f: {  	s28 =	simm.s32 $_size_execute0_lowered;
	s3 =	sadd.s32 s3, s5;
	[dreg:$0x0] =	wrdreg $0x0  }
0x20: {  	s5 =	sshll.u32 s28, $0x1;
	[dreg:$0x2] =	wrdreg s3  }
0x21: {  	[dreg:$0x3] =	wrdreg s5  }
0x22: {  	[dreg:$0x4] =	wrdreg $0xC0  }
0x23: {  	_ =	task [dreg:s7], $0x5FFFF  }
0x24: {  	[dreg:$0x1] =	wrdreg $0xFFFFFFFF  }
0x25: {  	[dreg:$0x0] =	wrdreg $0x60  }
0x26: {  	[dreg:$0x2] =	wrdreg s2  }
0x27: {  	[dreg:$0x3] =	wrdreg s25  }
0x28: {  	[dreg:$0x4] =	wrdreg $0x9  }
0x29: {  	_ =	task.clear_ibuf [dreg:s7], $0x5FFFF;
	_ =	strace $0x90000046  }
0x2a: {  	s29 =	simm.s32 $0x9;
	_ =	strace $0x80000048  }
0x2b: {  	_ =	swait.ge [sflag:s29], $0x1  }
0x2c: {  	[sflag:s29] =	ssyncadd.s32 $0xFFFFFFFF  }
0x2d: {  	_ =	strace $0x90000048  }
0x2e: {  	_ =	sfence  }
0x2f: {  	s30 =	sld [smem:$0x0];
	_ =	sdelay $0x2  }
0x30: {  	s31 =	sshll.u32 s1, $0xD;
	s1 =	sshrl.u32 s1, $0x2  }
0x31: {  	s3 =	sand.u32 $0x4000, s31;
	s1 =	sadd.s32 s1, s30  }
0x32: {  	s0 =	sor.u32 s3, s0;
	s1 =	sshll.u32 s1, $0x11  }
0x33: {  	s0 =	sor.u32 s1, s0  }
0x34: {  	s0 =	sadd.s32 $0x8F2B, s0  }
0x35: {  	[sflag:s0] =	ssyncadd.remote.s32 $0x1  }
0x36: {  	_ =	sfence.sel $0xFFFF  }
0x37: {  	[dreg:$0x0] =	wrdreg $0xFFFFFFFF;
	(pc) =	sbr.abs _section_cstart, $3  }
0x38: {  	[dreg:$0x1] =	wrdreg $0xFFFFFFFF  }
0x39: {  	_ =	task.clear_ibuf [dreg:s7], $0x2FFFF;
	_ =	strace $0x9FFFFFFF  }
0x3a: {  	(tm) =	ssettm $0x7FFFFFFF  }
0x3b: {  	_ =	shalt  }
tec
execute0_lowered:
.L_overlay_start_1:
0x0: {  	(tag) =	ssettag $0x1  }
0x1: {  	s0 =	stileid.u32  }
0x2: {  	s1 =	srdreg.scid;
	s7 =	rddreg [dreg:$0x1]  }
0x3: {  	s31 =	simm.s32 $0x2;
	s17 =	simm.s32 $0x0;
	s10 =	simm.s32 $0x800  }
0x4: {  	s15 =	simm.s32 $0x0;
	s16 =	simm.s32 $0x0;
	s14 =	simm.s32 $0x0  }
0x5: {  	s2 =	sshll.u32 s0, $0x4;
	s1 =	sshll.u32 s1, $0x8;
	s3 =	sshll.u32 s0, $0x5  }
0x6: {  	s7 =	sadd.s32 $0x1800, s7;
	s2 =	sor.u32 s2, s1;
	s1 =	sand.u32 $0x80, s3  }
0x7: {  	s3 =	rddreg [dreg:$0x0];
	s2 =	sand.u32 $0x180, s2;
	s4 =	ssub.s32 $0x100, s1  }
0x8: {  	s12 =	smov.u32 s1;
	s5 =	ssub.s32 $0x2000, s2;
	s6 =	sshrl.u32 s4, $0x8  }
0x9: {  	s4 =	sshrl.u32 s4, $0x7;
	s11 =	smov.u32 s2;
	s8 =	sand.u32 $0x180, s5  }
0xa: {  	s9 =	sand.u32 $0x1, s4;
	p0 =	sne.s32 s8, $0x0;
	s8 =	simm.s32 $0x1  }
.Ltmp0:
0xb: {  	s5 =	sshrl.u32 s5, $0x9;
	s8 =	simm.s32 @!p0 $0x0;
	(pc) =	sbr.rel .LBB1_1-.Ltmp0, $4  }
0xc: {  	s4 =	rddreg [dreg:$0x2];
	s6 =	sadd.s32 s6, s9;
	s8 =	sadd.s32 s8, s5  }
0xd: {  	_ =	strace $0x80000047;
	s5 =	simm.s32 $0x1;
	s6 =	smul.u32 s6, s8  }
0xe: {  	p0 =	por $0x0, $0x0;
	[sflag:s5] =	ssyncpa.u1 $0x0;
	s8 =	sand.u32 $0x3, s0  }
0xf: {  	[sflag:s31] =	ssyncpa.u1 $0x0;
	s13 =	smov.u32 s8;
	s9 =	sadd.s32 $0x1, s6  }
.LBB1_4:
0x10: {  	v5 =	vld [tilespmem:s21+$0xFFFFFFD0]  }
0x11: {  	[tilespmem:s19+$0x2040 ss:$0x81] =	vst.msk $0xffff, v1;
	v58 =	vld [tilespmem:s21+$0xFFFFFFE0]  }
0x12: {  	[tilespmem:s19+$0x2850 ss:$0x81] =	vst.msk $0xffff, v2;
	v59 =	vld [tilespmem:s21+$0xFFFFFFF0]  }
0x13: {  	s22 =	sshra.s32 s22, $0x2;
	[tilespmem:s19+$0x3060 ss:$0x81] =	vst.msk $0xffff, v3;
	v60 =	vld [tilespmem:s21+$0x0]  }
0x14: {  	v61 =	vld [tilespmem:s21+$0x10];
	[tilespmem:s19+$0x0 ss:$0x81] =	vst.msk $0xffff, v0;
	s20 =	sadd.s32 s22, s20  }
0x15: {  	s25 =	sshll.u32 s17, $0x8;
	v62 =	vld [tilespmem:s21+$0x20];
	[tilespmem:s20+$0x3870 ss:$0x81] =	vst.msk $0xffff, v4  }
0x16: {  	s23 =	sshll.u32 s15, $0x3;
	v63 =	vld [tilespmem:s21+$0xFFFFFFC0];
	s30 =	sand.u32 $0x78, s15;
	s16 =	sshll.u32 s16, $0x12;
	[tilespmem:s20+$0x810 ss:$0x81] =	vst.msk $0xffff, v5  }
0x17: {  	s28 =	sshll.u32 s17, $0x7;
	s26 =	sand.u32 $0x1FF800, s25;
	s27 =	sand.u32 $0x1FFC00, s23;
	[tilespmem:s20+$0x1020 ss:$0x81] =	vst.msk $0xffff, v58  }
0x18: {  	s29 =	sand.u32 $0x300, s28;
	s17 =	sand.u32 $0x80, s28;
	s19 =	sadd.s32 s27, s26;
	[tilespmem:s20+$0x1830 ss:$0x81] =	vst.msk $0xffff, v59  }
0x19: {  	s31 =	sand.u32 $0x7, s15;
	s17 =	sor.u32 s30, s17;
	s19 =	sor.u32 s29, s19;
	[tilespmem:s20+$0x2040 ss:$0x81] =	vst.msk $0xffff, v60  }
0x1a: {  	s16 =	sadd.s32 s7, s16;
	s17 =	sshrl.u32 s17, $0x3;
	s19 =	sshrl.u32 s19, $0x3;
	[tilespmem:s20+$0x2850 ss:$0x81] =	vst.msk $0xffff, v61  }
0x1b: {  	s15 =	sshll.u32 s31, $0x12;
	s16 =	sadd.s32 s17, s16;
	[tilespmem:s20+$0x3060 ss:$0x81] =	vst.msk $0xffff, v62;
	s19 =	sand.u32 $0x3FFE0, s19  }
0x1c: {  	s15 =	sor.u32 $0x400, s15;
	[tilespmem:s20+$0x0 ss:$0x81] =	vst.msk $0xffff, v63;
	s16 =	sadd.s32 s19, s16  }
0x1d: {  	[hbm4b:s16+s15] =	stream.strided.scatter [tilespmem:s18], [sflag:$0x2], $0x4000, s10, s15, $0x20;
	[tilespmem:$0x10100] =	vst v63  }
.LBB1_5:
0x1e: {  	s18 =	sadd.s32 $0x200, s11  }
0x1f: {  	s15 =	sadd.s32 $0x100, s12;
	s19 =	smov.u32 s12;
	p2 =	sgt.s32 s18, $0x1FFF  }
0x20: {  	s19 =	smov.u32 @p2 s15  }
0x21: {  	s21 =	smov.u32 s13;
	s15 =	sadd.s32 $0x4, s13;
	p3 =	sgt.s32 s19, $0xFF  }
0x22: {  	s21 =	smov.u32 @p3 s15  }
0x23: {  	s18 =	smov.u32 @p2 s2;
	p2 =	sgt.s32 s21, $0x3  }
0x24: {  	p1 =	slt.u32 s14, $0x2;
	s21 =	smov.u32 @p2 s8;
	p2 =	sne.s32 s14, s9  }
.Ltmp1:
0x25: {  	s20 =	simm.s32 @!p1 $0x2;
	(pc) =	sbr.rel @!p2 .LBB1_6-.Ltmp1, $4  }
0x26: {  	s17 =	smov.u32 s11;
	s16 =	smov.u32 s13;
	_ =	swait.ge @!p1 [sflag:s20], $0x4000  }
0x27: {  	p0 =	por !p0, !p0;
	[sflag:s20] =	ssyncset.done @!p1 $0x0;
	s11 =	smov.u32 s18  }
0x28: {  	s19 =	smov.u32 @p3 s1;
	s15 =	smov.u32 s12;
	[sflag:s20] =	ssyncadd.s32 @!p1 $0xFFFFC000  }
0x29: {  	s12 =	smov.u32 s19;
	s14 =	sadd.s32 $0x1, s14;
	s13 =	smov.u32 s21  }
.LBB1_1:
0x2a: {  	p1 =	sge.u32 s14, s6;
	s31 =	sadd.s32 $0xFFFFFFFF, s14  }
0x2b: {  	s18 =	sxor.u32 @!p1 $0xFFFFFFFF, s14;
	s19 =	sand.u32 @!p1 $0x78, s11;
	s20 =	sshll.u32 @!p1 s12, $0xD  }
0x2c: {  	s21 =	sshll.u32 @!p1 s12, $0x7;
	s22 =	sshll.u32 @!p1 s11, $0x3;
	s18 =	sshll.u32 @!p1 s18, $0xE  }
0x2d: {  	s20 =	sand.u32 @!p1 $0x1F0000, s20;
	s21 =	sand.u32 @!p1 $0x380, s21;
	s18 =	sand.u32 @!p1 $0x4000, s18  }
0x2e: {  	s20 =	sadd.s32 @!p1 s20, s22;
	s22 =	sand.u32 @!p1 $0x1C00, s22;
	s19 =	sor.u32 @!p1 s21, s19  }
0x2f: {  	s21 =	sshll.u32 @!p1 s13, $0x12;
	s19 =	sor.u32 @!p1 s22, s19;
	s20 =	sshrl.u32 @!p1 s20, $0x3  }
0x30: {  	s21 =	sadd.s32 @!p1 s3, s21;
	s22 =	sand.u32 @!p1 $0x7, s11;
	s20 =	sand.u32 @!p1 $0x3FC00, s20  }
0x31: {  	s19 =	sshrl.u32 @!p1 s19, $0x3;
	s20 =	sadd.s32 @!p1 s20, s21;
	s21 =	sshll.u32 @!p1 s22, $0x12  }
0x32: {  	s19 =	sadd.s32 @!p1 s19, s20;
	s20 =	sor.u32 @!p1 $0x400, s21;
	s21 =	simm.s32 @!p1 $0x10000  }
0x33: {  	[tilespmem:s18], [sflag:$0x1] =	stream.strided.gather @!p1 [hbm4b:s19+s20], $0x4000, s21, s20, $0x38;
	[tilespmem:$0x10100] =	vst v63  }
0x34: {  	p1 =	sge.u32 s31, s6  }
.Ltmp2:
0x35: {  	_ = 	snop;
	(pc) =	sbr.rel @p1 .LBB1_5-.Ltmp2, $1  }
0x36: {  	_ =	sdelay $0x3  }
0x37: {  	s18 =	simm.s32 $0x1  }
0x38: {  	_ =	swait.ge [sflag:s5], $0x4000;
	s18 =	simm.s32 @!p0 $0x0  }
0x39: {  	[sflag:s5] =	ssyncset.done $0x0;
	s19 =	sshll.u32 s18, $0xE  }
0x3a: {  	[sflag:s5] =	ssyncadd.s32 $0xFFFFC000;
	s21 =	sor.u32 $0x40, s19  }
0x3b: {  	s18 =	smul.u32 $0x10200, s18;
	v0 =	vld [tilespmem:s21+$0x30]  }
0x3c: {  	v3 =	vld [tilespmem:s21+$0xFFFFFFD0]  }
0x3d: {  	s18 =	sshrl.u32 s18, $0x2;
	v4 =	vld [tilespmem:s21+$0xFFFFFFE0]  }
0x3e: {  	v5 =	vld [tilespmem:s21+$0xFFFFFFF0];
	s20 =	sor.u32 $0x8000, s18  }
0x3f: {  	s31 =	sand.u32 $0x1, s14;
	v1 =	vld [tilespmem:s21+$0x0];
	s19 =	sadd.s32 $0x0, s20  }
0x40: {  	v2 =	vld [tilespmem:s21+$0x10];
	s18 =	smul.u32 $0x10200, s31;
	[tilespmem:s19+$0x3870 ss:$0x81] =	vst.msk $0xffff, v0  }
0x41: {  	[tilespmem:s19+$0x810 ss:$0x81] =	vst.msk $0xffff, v3;
	v3 =	vld [tilespmem:s21+$0x20]  }
0x42: {  	s18 =	sshrl.u32 s18, $0x2;
	v0 =	vld [tilespmem:s21+$0xFFFFFFC0];
	[tilespmem:s19+$0x1020 ss:$0x81] =	vst.msk $0xffff, v4;
	s21 =	sadd.s32 $0x80, s21  }
0x43: {  	s22 =	simm.s32 $0x4;
	s23 =	simm.s32 $0x8;
	s18 =	sor.u32 $0x8000, s18;
	[tilespmem:s19+$0x1830 ss:$0x81] =	vst.msk $0xffff, v5;
	v4 =	vld [tilespmem:s21+$0x30]  }
.LBB1_3:
0x44: {  	p1 =	sne.s32 s23, $0x1FC;
	v5 =	vld [tilespmem:s21+$0xFFFFFFD0];
	[tilespmem:s19+$0x2040 ss:$0x81] =	vst.msk $0xffff, v1  }
0x45: {  	v6 =	vld [tilespmem:s21+$0xFFFFFFE0];
	[tilespmem:s19+$0x2850 ss:$0x81] =	vst.msk $0xffff, v2  }
0x46: {  	s24 =	sshra.s32 s22, $0x2;
	s22 =	smov.u32 s23;
	v7 =	vld [tilespmem:s21+$0xFFFFFFF0];
	[tilespmem:s19+$0x3060 ss:$0x81] =	vst.msk $0xffff, v3  }
.Ltmp3:
0x47: {  	v1 =	vld [tilespmem:s21+$0x0];
	[tilespmem:s19+$0x0 ss:$0x81] =	vst.msk $0xffff, v0;
	s19 =	sadd.s32 s24, s20;
	(pc) =	sbr.rel @p1 .LBB1_3-.Ltmp3, $4  }
0x48: {  	v2 =	vld [tilespmem:s21+$0x10];
	[tilespmem:s19+$0x3870 ss:$0x81] =	vst.msk $0xffff, v4  }
0x49: {  	[tilespmem:s19+$0x810 ss:$0x81] =	vst.msk $0xffff, v5;
	v3 =	vld [tilespmem:s21+$0x20]  }
0x4a: {  	v0 =	vld [tilespmem:s21+$0xFFFFFFC0];
	[tilespmem:s19+$0x1020 ss:$0x81] =	vst.msk $0xffff, v6;
	s21 =	sadd.s32 $0x80, s21  }
0x4b: {  	s23 =	sadd.s32 $0x4, s23;
	v4 =	vld [tilespmem:s21+$0x30];
	[tilespmem:s19+$0x1830 ss:$0x81] =	vst.msk $0xffff, v7  }
.Ltmp4:
0x4c: {  	_ = 	snop;
	(pc) =	sbr.rel .LBB1_4-.Ltmp4, $1  }
0x4d: {  	_ =	sdelay $0x3  }
.LBB1_6:
0x4e: {  	_ =	sfence.sel $0x180000  }
0x4f: {  	s1 =	simm.s32 $0x1;
	[bflag:$0x0] =	sbarrier.arrive $0xFFFF  }
0x50: {  	s31 =	simm.s32 $0x2;
	[sflag:s1] =	ssyncpa.u1 $0x1  }
0x51: {  	[sflag:s31] =	ssyncpa.u1 $0x1  }
0x52: {  	p0 =	sne.s32 s0, $0x0;
	_ =	strace $0x90000047  }
0x53: {  	s0 =	sadd.s32 @!p0 $0x100000, s4;
	[bflag:$0x2] =	sbarrier.arrive $0xFFFF  }
0x54: {  	[sflag:s0] =	ssyncadd.tile.s32 @!p0 $0x1;
	_ =	shalt  }
.Lfunc_end1:
_tile_overlayer_lowered:
.L_overlay_start_2:
0x55: {  	(tag) =	ssettag $0x2  }
0x56: {  	s0 =	rddreg [dreg:$0x0];
	s2 =	stileid.u32  }
0x57: {  	s1 =	rddreg [dreg:$0x1];
	p0 =	sne.s32 s2, $0x0  }
0x58: {  	s3 =	rddreg [dreg:$0x2];
	[bflag:$0x3] =	sbarrier.arrive $0xFFFF;
	s2 =	simm.s32 @!p0 $0x1C01  }
0x59: {  	[timem:s3], [sflag:s2] =	dma.local @!p0 [hbm:s0], s1  }
0x5a: {  	s0 =	simm.s32 @!p0 $0x1  }
0x5b: {  	_ =	swait.ge @!p0 [sflag:s0], s1  }
0x5c: {  	s1 =	ssub.s32 @!p0 $0x0, s1;
	[sflag:s0] =	ssyncset.done @!p0 $0x0  }
0x5d: {  	[sflag:s0] =	ssyncadd.s32 @!p0 s1  }
0x5e: {  	[bflag:$0x3] =	sbarrier.arrive $0xFFFF  }
0x5f: {  	_ =	shalt  }

// kernel: sparse-core-data-format-call.cloned.1.call-start
scs
called_computation_lowered:
.L_overlay_start_0:
0x0: {  	s2 =	sld [smem:$0x3FD9]  }
0x1: {  	s3 =	sld [smem:$0x3FFE];
	_ =	sdelay $0x1  }
0x2: {  	s1 =	srdreg.scid  }
0x3: {  	s0 =	sand.u32 $0x1, s1  }
0x4: {  	s18 =	sshll.u32 s0, $0xA;
	s2 =	sadd.s32 s3, s2  }
0x5: {  	s2 =	sadd.s32 s2, s18  }
0x6: {  	[smem:$0x3FC5] =	sst s2  }
0x7: {  	_ = 	snop  }
0x8: {  	s2 =	sld [smem:$0x3FD0];
	(tm) =	ssettm $0x1  }
0x9: {  	s19 =	sld [smem:$0x3FFB];
	_ =	sdelay $0x3  }
0xa: {  	_ =	strace s19  }
0xb: {  	s3 =	sld [smem:$0x3FFC];
	_ =	sdelay $0x3  }
0xc: {  	_ =	strace s3  }
0xd: {  	s3 =	sld [smem:$0x3FFD];
	_ =	sdelay $0x3  }
0xe: {  	_ =	strace s3  }
0xf: {  	_ =	strace $0x8FFFFFFF  }
0x10: {  	s20 =	sld [smem:$0x3FDB];
	_ =	sdelay $0x1  }
0x11: {  	s4 =	simm.s32 $_scs_section_size  }
0x12: {  	s5 =	simm.s32 $_size__tile_overlayer_lowered;
	s6 =	simm.s32 $_tile_overlayer_lowered  }
0x13: {  	s23 =	simm.s32 $0x1BFF;
	s22 =	sshll.u32 s6, $0x1;
	s3 =	sadd.s32 s4, s20  }
0x14: {  	s7 =	simm.s32 $0x0;
	s21 =	sshll.u32 s5, $0x1;
	s5 =	sadd.s32 s22, s3  }
0x15: {  	[timem:s7], [sflag:s23] =	dma.local [hbm:s5], s21  }
0x16: {  	_ =	swait.ge [sflag:s23], s21  }
0x17: {  	s4 =	ssub.s32 $0x0, s21;
	[sflag:s23] =	ssyncset.done $0x0  }
0x18: {  	[sflag:s23] =	ssyncadd.s32 s4;
	_ =	sdelay $0x1  }
0x19: {  	s24 =	simm.s32 $0x1B8B  }
0x1a: {  	_ =	swait.ge [sflag:s24], $0x1  }
0x1b: {  	[sflag:s24] =	ssyncset.done $0x0  }
0x1c: {  	s26 =	simm.s32 $0x1B8E;
	s25 =	sld [smem:$0x3FFE];
	[sflag:s24] =	ssyncadd.s32 $0xFFFFFFFF  }
0x1d: {  	s27 =	simm.s32 $execute0_lowered;
	[smem:$0x3FD2] =	sst s26  }
0x1e: {  	s5 =	sshll.u32 s27, $0x1;
	_ =	strace $0x8000004C;
	[dreg:$0x1] =	wrdreg $0xFFFFFFFF  }
0x1f: {  	s28 =	simm.s32 $_size_execute0_lowered;
	s3 =	sadd.s32 s3, s5;
	[dreg:$0x0] =	wrdreg $0x0  }
0x20: {  	s5 =	sshll.u32 s28, $0x1;
	[dreg:$0x2] =	wrdreg s3  }
0x21: {  	[dreg:$0x3] =	wrdreg s5  }
0x22: {  	[dreg:$0x4] =	wrdreg $0xC0  }
0x23: {  	_ =	task [dreg:s7], $0x5FFFF  }
0x24: {  	[dreg:$0x1] =	wrdreg $0xFFFFFFFF  }
0x25: {  	[dreg:$0x0] =	wrdreg $0x60  }
0x26: {  	[dreg:$0x2] =	wrdreg s2  }
0x27: {  	[dreg:$0x3] =	wrdreg s25  }
0x28: {  	[dreg:$0x4] =	wrdreg $0x9  }
0x29: {  	_ =	task.clear_ibuf [dreg:s7], $0x5FFFF;
	_ =	strace $0x9000004C  }
0x2a: {  	s29 =	simm.s32 $0x9;
	_ =	strace $0x8000004E  }
0x2b: {  	_ =	swait.ge [sflag:s29], $0x1  }
0x2c: {  	[sflag:s29] =	ssyncadd.s32 $0xFFFFFFFF  }
0x2d: {  	_ =	strace $0x9000004E  }
0x2e: {  	_ =	sfence  }
0x2f: {  	s30 =	sld [smem:$0x0];
	_ =	sdelay $0x2  }
0x30: {  	s31 =	sshll.u32 s1, $0xD;
	s1 =	sshrl.u32 s1, $0x2  }
0x31: {  	s3 =	sand.u32 $0x4000, s31;
	s1 =	sadd.s32 s1, s30  }
0x32: {  	s0 =	sor.u32 s3, s0;
	s1 =	sshll.u32 s1, $0x11  }
0x33: {  	s0 =	sor.u32 s1, s0  }
0x34: {  	s0 =	sadd.s32 $0x8F2B, s0  }
0x35: {  	[sflag:s0] =	ssyncadd.remote.s32 $0x1  }
0x36: {  	_ =	sfence.sel $0xFFFF  }
0x37: {  	[dreg:$0x0] =	wrdreg $0xFFFFFFFF;
	(pc) =	sbr.abs _section_cstart, $3  }
0x38: {  	[dreg:$0x1] =	wrdreg $0xFFFFFFFF  }
0x39: {  	_ =	task.clear_ibuf [dreg:s7], $0x2FFFF;
	_ =	strace $0x9FFFFFFF  }
0x3a: {  	(tm) =	ssettm $0x7FFFFFFF  }
0x3b: {  	_ =	shalt  }
tec
execute0_lowered:
.L_overlay_start_1:
0x0: {  	(tag) =	ssettag $0x1  }
0x1: {  	s0 =	stileid.u32;
	s3 =	rddreg [dreg:$0x0]  }
0x2: {  	s1 =	srdreg.scid;
	s5 =	rddreg [dreg:$0x1]  }
0x3: {  	s8 =	simm.s32 $0x2;
	s15 =	simm.s32 $0x0;
	s9 =	simm.s32 $0x8000  }
0x4: {  	s18 =	simm.s32 $0x0;
	s2 =	sshll.u32 s0, $0x5;
	s1 =	sshll.u32 s1, $0x9  }
0x5: {  	s16 =	simm.s32 $0x0;
	s17 =	simm.s32 $0x0;
	s1 =	sor.u32 s2, s1  }
0x6: {  	s10 =	simm.s32 $0x0;
	s11 =	simm.s32 $0x0;
	s2 =	sand.u32 $0x380, s1  }
0x7: {  	s14 =	simm.s32 $0x0;
	s1 =	rddreg [dreg:$0x2];
	s4 =	ssub.s32 $0x400, s2  }
0x8: {  	_ =	strace $0x8000004D;
	s6 =	sand.u32 $0x380, s4;
	s7 =	sshrl.u32 s4, $0xA  }
.Ltmp0:
0x9: {  	p0 =	sne.s32 s6, $0x0;
	s6 =	simm.s32 $0x1;
	(pc) =	sbr.rel .LBB1_1-.Ltmp0, $4  }
0xa: {  	s4 =	sadd.s32 $0x115800, s5;
	s5 =	simm.s32 $0x1;
	s6 =	simm.s32 @!p0 $0x0  }
0xb: {  	s12 =	smov.u32 s2;
	[sflag:s5] =	ssyncpa.u1 $0x0;
	s6 =	sadd.s32 s6, s7  }
0xc: {  	[sflag:s8] =	ssyncpa.u1 $0x0;
	s7 =	sand.u32 $0x3, s0;
	s6 =	sshll.u32 s6, $0x6  }
0xd: {  	p0 =	por $0x0, $0x0;
	s13 =	smov.u32 s7;
	s8 =	sor.u32 $0x1, s6  }
.LBB1_4:
0xe: {  	v5 =	vld [tilespmem:s21+$0xFFFFFFD0];
	[tilespmem:s22+$0x2040 ss:$0x81] =	vst.msk $0xffff, v1  }
0xf: {  	v58 =	vld [tilespmem:s21+$0xFFFFFFE0];
	[tilespmem:s22+$0x2850 ss:$0x81] =	vst.msk $0xffff, v2  }
0x10: {  	s23 =	sshra.s32 s23, $0x2;
	v59 =	vld [tilespmem:s21+$0xFFFFFFF0];
	[tilespmem:s22+$0x3060 ss:$0x81] =	vst.msk $0xffff, v3  }
0x11: {  	v60 =	vld [tilespmem:s21+$0x0];
	[tilespmem:s22+$0x0 ss:$0x81] =	vst.msk $0xffff, v0;
	s20 =	sadd.s32 s23, s20  }
0x12: {  	v61 =	vld [tilespmem:s21+$0x10];
	s25 =	sand.u32 $0x78, s16;
	[tilespmem:s20+$0x3870 ss:$0x81] =	vst.msk $0xffff, v4  }
0x13: {  	v62 =	vld [tilespmem:s21+$0x20];
	s26 =	sshll.u32 s18, $0xA;
	s24 =	sshll.u32 s16, $0x3;
	s27 =	sshll.u32 s18, $0x7;
	[tilespmem:s20+$0x810 ss:$0x81] =	vst.msk $0xffff, v5  }
0x14: {  	v63 =	vld [tilespmem:s21+$0xFFFFFFC0];
	s17 =	sshll.u32 s17, $0x14;
	s15 =	sshll.u32 s15, $0xC;
	s30 =	sand.u32 $0x7, s16;
	[tilespmem:s20+$0x1020 ss:$0x81] =	vst.msk $0xffff, v58  }
0x15: {  	s28 =	sand.u32 $0x6000, s26;
	s29 =	sand.u32 $0x7C00, s24;
	s18 =	sand.u32 $0x380, s27;
	[tilespmem:s20+$0x1830 ss:$0x81] =	vst.msk $0xffff, v59  }
0x16: {  	s17 =	sadd.s32 s4, s17;
	s21 =	sadd.s32 s29, s28;
	s18 =	sor.u32 s25, s18;
	[tilespmem:s20+$0x2040 ss:$0x81] =	vst.msk $0xffff, v60  }
0x17: {  	s15 =	sadd.s32 s15, s17;
	s21 =	sshrl.u32 s21, $0x3;
	s18 =	sshrl.u32 s18, $0x3;
	[tilespmem:s20+$0x2850 ss:$0x81] =	vst.msk $0xffff, v61  }
0x18: {  	s16 =	sshll.u32 s30, $0x12;
	s31 =	sand.u32 $0xF80, s21;
	s15 =	sadd.s32 s18, s15;
	[tilespmem:s20+$0x3060 ss:$0x81] =	vst.msk $0xffff, v62  }
0x19: {  	s16 =	sor.u32 $0x80, s16;
	[tilespmem:s20+$0x0 ss:$0x81] =	vst.msk $0xffff, v63;
	s15 =	sadd.s32 s31, s15  }
0x1a: {  	[hbm4b:s15+s16] =	stream.strided.scatter [tilespmem:s19], [sflag:$0x2], $0x4000, s9, s16, $0x20;
	[tilespmem:$0x10100] =	vst v63  }
.LBB1_5:
0x1b: {  	s19 =	sadd.s32 $0x80, s10  }
0x1c: {  	s15 =	simm.s32 $0x1;
	p2 =	sgt.s32 s19, $0xFF  }
0x1d: {  	s15 =	simm.s32 @!p2 $0x0  }
0x1e: {  	s20 =	sadd.s32 s15, s11  }
0x1f: {  	s21 =	smov.u32 s12;
	s15 =	sadd.s32 $0x400, s12;
	p3 =	sgt.s32 s20, $0x1F  }
0x20: {  	s21 =	smov.u32 @p3 s15  }
0x21: {  	s22 =	smov.u32 s13;
	s15 =	sadd.s32 $0x4, s13;
	p4 =	sgt.s32 s21, $0x3FF  }
0x22: {  	p1 =	slt.u32 s14, $0x2;
	s22 =	smov.u32 @p4 s15  }
0x23: {  	s18 =	smov.u32 s11;
	s19 =	simm.s32 @p2 $0x0;
	p2 =	sgt.s32 s22, $0x3  }
0x24: {  	s23 =	simm.s32 @!p1 $0x2;
	s22 =	smov.u32 @p2 s7;
	p2 =	sne.s32 s14, s8  }
.Ltmp1:
0x25: {  	s16 =	smov.u32 s12;
	_ =	swait.ge @!p1 [sflag:s23], $0x4000;
	(pc) =	sbr.rel @!p2 .LBB1_6-.Ltmp1, $4  }
0x26: {  	s17 =	smov.u32 s13;
	[sflag:s23] =	ssyncset.done @!p1 $0x0;
	s20 =	simm.s32 @p3 $0x0  }
0x27: {  	p0 =	por !p0, !p0;
	[sflag:s23] =	ssyncadd.s32 @!p1 $0xFFFFC000;
	s11 =	smov.u32 s20  }
0x28: {  	s21 =	smov.u32 @p4 s2;
	s15 =	smov.u32 s10;
	s10 =	smov.u32 s19  }
0x29: {  	s12 =	smov.u32 s21;
	s14 =	sadd.s32 $0x1, s14;
	s13 =	smov.u32 s22  }
.LBB1_1:
0x2a: {  	p1 =	sge.u32 s14, s6;
	s31 =	sadd.s32 $0xFFFFFFFF, s14  }
0x2b: {  	s19 =	sxor.u32 @!p1 $0xFFFFFFFF, s14;
	s20 =	sand.u32 @!p1 $0x78, s10;
	s21 =	sshll.u32 @!p1 s11, $0x8  }
0x2c: {  	s22 =	sshll.u32 @!p1 s10, $0x3;
	s23 =	sshll.u32 @!p1 s11, $0x7;
	s19 =	sshll.u32 @!p1 s19, $0xE  }
0x2d: {  	s21 =	sand.u32 @!p1 $0x1800, s21;
	s22 =	sand.u32 @!p1 $0x1C00, s22;
	s19 =	sand.u32 @!p1 $0x4000, s19  }
0x2e: {  	s21 =	sadd.s32 @!p1 s21, s22;
	s22 =	sand.u32 @!p1 $0x300, s23;
	s23 =	sand.u32 @!p1 $0x80, s23  }
0x2f: {  	s21 =	sor.u32 @!p1 s22, s21;
	s20 =	sor.u32 @!p1 s20, s23;
	s22 =	sshll.u32 @!p1 s13, $0x14  }
0x30: {  	s23 =	sshll.u32 @!p1 s12, $0xA;
	s21 =	sshrl.u32 @!p1 s21, $0x3;
	s22 =	sadd.s32 @!p1 s3, s22  }
0x31: {  	s20 =	sshrl.u32 @!p1 s20, $0x3;
	s22 =	sadd.s32 @!p1 s23, s22;
	s23 =	sand.u32 @!p1 $0x7, s10  }
0x32: {  	s21 =	sand.u32 @!p1 $0x3E0, s21;
	s20 =	sadd.s32 @!p1 s20, s22;
	s22 =	sshll.u32 @!p1 s23, $0x12  }
0x33: {  	s20 =	sadd.s32 @!p1 s21, s20;
	s21 =	sor.u32 @!p1 $0x80, s22;
	s22 =	simm.s32 @!p1 $0x2000  }
0x34: {  	[tilespmem:s19], [sflag:$0x1] =	stream.strided.gather @!p1 [hbm4b:s20+s21], $0x4000, s22, s21, $0x38;
	[tilespmem:$0x10100] =	vst v63  }
0x35: {  	p1 =	sge.u32 s31, s6  }
.Ltmp2:
0x36: {  	_ = 	snop;
	(pc) =	sbr.rel @p1 .LBB1_5-.Ltmp2, $1  }
0x37: {  	_ =	sdelay $0x3  }
0x38: {  	s19 =	simm.s32 $0x1  }
0x39: {  	_ =	swait.ge [sflag:s5], $0x4000;
	s19 =	simm.s32 @!p0 $0x0  }
0x3a: {  	[sflag:s5] =	ssyncset.done $0x0;
	s20 =	sshll.u32 s19, $0xE  }
0x3b: {  	[sflag:s5] =	ssyncadd.s32 $0xFFFFC000;
	s21 =	sor.u32 $0x40, s20  }
0x3c: {  	s19 =	smul.u32 $0x10200, s19;
	v0 =	vld [tilespmem:s21+$0x30]  }
0x3d: {  	v3 =	vld [tilespmem:s21+$0xFFFFFFD0]  }
0x3e: {  	s19 =	sshrl.u32 s19, $0x2;
	v4 =	vld [tilespmem:s21+$0xFFFFFFE0]  }
0x3f: {  	v5 =	vld [tilespmem:s21+$0xFFFFFFF0];
	s20 =	sor.u32 $0x8000, s19  }
0x40: {  	s31 =	sand.u32 $0x1, s14;
	v1 =	vld [tilespmem:s21+$0x0];
	s22 =	sadd.s32 $0x0, s20  }
0x41: {  	v2 =	vld [tilespmem:s21+$0x10];
	s19 =	smul.u32 $0x10200, s31;
	[tilespmem:s22+$0x3870 ss:$0x81] =	vst.msk $0xffff, v0  }
0x42: {  	[tilespmem:s22+$0x810 ss:$0x81] =	vst.msk $0xffff, v3;
	v3 =	vld [tilespmem:s21+$0x20]  }
0x43: {  	s19 =	sshrl.u32 s19, $0x2;
	v0 =	vld [tilespmem:s21+$0xFFFFFFC0];
	[tilespmem:s22+$0x1020 ss:$0x81] =	vst.msk $0xffff, v4;
	s21 =	sadd.s32 $0x80, s21  }
0x44: {  	s23 =	simm.s32 $0x4;
	s24 =	simm.s32 $0x8;
	s19 =	sor.u32 $0x8000, s19;
	[tilespmem:s22+$0x1830 ss:$0x81] =	vst.msk $0xffff, v5;
	v4 =	vld [tilespmem:s21+$0x30]  }
.LBB1_3:
0x45: {  	p1 =	sne.s32 s24, $0x1FC;
	v5 =	vld [tilespmem:s21+$0xFFFFFFD0];
	[tilespmem:s22+$0x2040 ss:$0x81] =	vst.msk $0xffff, v1  }
0x46: {  	v6 =	vld [tilespmem:s21+$0xFFFFFFE0];
	[tilespmem:s22+$0x2850 ss:$0x81] =	vst.msk $0xffff, v2  }
0x47: {  	s25 =	sshra.s32 s23, $0x2;
	s23 =	smov.u32 s24;
	v7 =	vld [tilespmem:s21+$0xFFFFFFF0];
	[tilespmem:s22+$0x3060 ss:$0x81] =	vst.msk $0xffff, v3  }
.Ltmp3:
0x48: {  	v1 =	vld [tilespmem:s21+$0x0];
	[tilespmem:s22+$0x0 ss:$0x81] =	vst.msk $0xffff, v0;
	s22 =	sadd.s32 s25, s20;
	(pc) =	sbr.rel @p1 .LBB1_3-.Ltmp3, $4  }
0x49: {  	v2 =	vld [tilespmem:s21+$0x10];
	[tilespmem:s22+$0x3870 ss:$0x81] =	vst.msk $0xffff, v4  }
0x4a: {  	[tilespmem:s22+$0x810 ss:$0x81] =	vst.msk $0xffff, v5;
	v3 =	vld [tilespmem:s21+$0x20]  }
0x4b: {  	v0 =	vld [tilespmem:s21+$0xFFFFFFC0];
	[tilespmem:s22+$0x1020 ss:$0x81] =	vst.msk $0xffff, v6;
	s21 =	sadd.s32 $0x80, s21  }
0x4c: {  	s24 =	sadd.s32 $0x4, s24;
	v4 =	vld [tilespmem:s21+$0x30];
	[tilespmem:s22+$0x1830 ss:$0x81] =	vst.msk $0xffff, v7  }
.Ltmp4:
0x4d: {  	_ = 	snop;
	(pc) =	sbr.rel .LBB1_4-.Ltmp4, $1  }
0x4e: {  	_ =	sdelay $0x3  }
.LBB1_6:
0x4f: {  	_ =	sfence.sel $0x180000  }
0x50: {  	s2 =	simm.s32 $0x1;
	[bflag:$0x0] =	sbarrier.arrive $0xFFFF  }
0x51: {  	s31 =	simm.s32 $0x2;
	[sflag:s2] =	ssyncpa.u1 $0x1  }
0x52: {  	[sflag:s31] =	ssyncpa.u1 $0x1  }
0x53: {  	p0 =	sne.s32 s0, $0x0;
	_ =	strace $0x9000004D  }
0x54: {  	s0 =	sadd.s32 @!p0 $0x100000, s1;
	[bflag:$0x2] =	sbarrier.arrive $0xFFFF  }
0x55: {  	[sflag:s0] =	ssyncadd.tile.s32 @!p0 $0x1;
	_ =	shalt  }
.Lfunc_end1:
_tile_overlayer_lowered:
.L_overlay_start_2:
0x56: {  	(tag) =	ssettag $0x2  }
0x57: {  	s0 =	rddreg [dreg:$0x0];
	s2 =	stileid.u32  }
0x58: {  	s1 =	rddreg [dreg:$0x1];
	p0 =	sne.s32 s2, $0x0  }
0x59: {  	s3 =	rddreg [dreg:$0x2];
	[bflag:$0x3] =	sbarrier.arrive $0xFFFF;
	s2 =	simm.s32 @!p0 $0x1C01  }
0x5a: {  	[timem:s3], [sflag:s2] =	dma.local @!p0 [hbm:s0], s1  }
0x5b: {  	s0 =	simm.s32 @!p0 $0x1  }
0x5c: {  	_ =	swait.ge @!p0 [sflag:s0], s1  }
0x5d: {  	s1 =	ssub.s32 @!p0 $0x0, s1;
	[sflag:s0] =	ssyncset.done @!p0 $0x0  }
0x5e: {  	[sflag:s0] =	ssyncadd.s32 @!p0 s1  }
0x5f: {  	[bflag:$0x3] =	sbarrier.arrive $0xFFFF  }
0x60: {  	_ =	shalt  }

</sc_bundles>
